<compile_context>
chip_gen: v7x
topology: tpu7x:2x2x1
jax: 0.10.2.dev20260603
libtpu: 0.0.44.dev20260713+nightly
codegen_flags: <defaults>
</compile_context>

<pallas_src>
import functools

import jax
import jax.numpy as jnp
from jax import lax
from jax.experimental import pallas as pl
from jax.experimental.pallas import tpu as pltpu
from jax.experimental.pallas import tpu_sc as plsc

D = 128
ROWS = 4096
COLS = 200
B = ROWS * COLS

_info = plsc.get_sparse_core_info()
NC = _info.num_cores
NS = _info.num_subcores
NW = NC * NS
RPW = ROWS // NW
PER_W = RPW * COLS

CHUNK = COLS
NCHUNK = RPW
G1 = 128
G2 = COLS - G1

_mesh = plsc.VectorSubcoreMesh(core_axis_name="c", subcore_axis_name="s")


@functools.partial(
    pl.kernel,
    mesh=_mesh,
    out_type=jax.ShapeDtypeStruct((B, D), jnp.float32),
    scratch_types=[
        pltpu.VMEM((RPW, COLS), jnp.int32),
        pltpu.VMEM((3, CHUNK, D), jnp.float32),
        pltpu.SemaphoreType.DMA,
        pltpu.SemaphoreType.DMA,
        pltpu.SemaphoreType.DMA,
        pltpu.SemaphoreType.DMA,
        pltpu.SemaphoreType.DMA,
        pltpu.SemaphoreType.DMA,
    ],
)
def _emb_lookup(ids_hbm, table_hbm, out_hbm, idx_v, rows_v, g0, g1, g2, o0, o1, o2):
    wid = lax.axis_index("c") * NS + lax.axis_index("s")
    base = wid * PER_W
    gsem = (g0, g1, g2)
    osem = (o0, o1, o2)

    pltpu.sync_copy(ids_hbm.at[pl.ds(wid * RPW, RPW)], idx_v)

    def fire_gather(i, s):
        pltpu.async_copy(
            table_hbm.at[idx_v.at[i, pl.ds(0, G1)]],
            rows_v.at[s, pl.ds(0, G1)],
            gsem[s],
        )
        pltpu.async_copy(
            table_hbm.at[idx_v.at[i, pl.ds(G1, G2)]],
            rows_v.at[s, pl.ds(G1, G2)],
            gsem[s],
        )

    def drain_gather(s):
        pltpu.make_async_copy(
            table_hbm.at[pl.ds(0, CHUNK)], rows_v.at[s], gsem[s]
        ).wait()

    def fire_out(i, s):
        pltpu.async_copy(
            rows_v.at[s], out_hbm.at[pl.ds(base + i * CHUNK, CHUNK)], osem[s]
        )

    def drain_out(s):
        pltpu.make_async_copy(
            rows_v.at[s], out_hbm.at[pl.ds(0, CHUNK)], osem[s]
        ).wait()

    def step(i, s):
        drain_out((s + 2) % 3)
        fire_gather(i + 2, (s + 2) % 3)
        drain_gather(s)
        fire_out(i, s)

    fire_gather(0, 0)
    fire_gather(1, 1)
    fire_gather(2, 2)
    drain_gather(0)
    fire_out(0, 0)
    step(1, 1)

    def body(u, carry):
        i = 3 * u + 2
        step(i, 2)
        step(i + 1, 0)
        step(i + 2, 1)
        return carry

    lax.fori_loop(0, (NCHUNK - 8) // 3, body, 0)
    step(NCHUNK - 6, 2)
    step(NCHUNK - 5, 0)
    step(NCHUNK - 4, 1)
    step(NCHUNK - 3, 2)

    drain_out(2)
    drain_gather(0)
    fire_out(NCHUNK - 2, 0)
    drain_out(0)
    drain_gather(1)
    fire_out(NCHUNK - 1, 1)
    drain_out(1)


def kernel(input_ids, table):
    out = _emb_lookup(input_ids.astype(jnp.int32), table)
    return out.reshape(ROWS, COLS, D)

# --- scband reference (transcript-rebuilt; emitter-appended) ---
"""Pipeline reference for scband-embedding-40905268527537 (READ-ONLY COPY).

The authoritative reference and input builder live on the scoring server;
editing this copy changes nothing except your own understanding.
"""

import jax, jax.numpy as jnp
import numpy as np

NUM_EMBEDDINGS = 1000000
EMBEDDING_DIM = 128

def setup_inputs(seed: int = 0) -> dict:
    key = jax.random.key(seed)
    k1, k2 = jax.random.split(key)
    input_ids = jax.random.randint(k1, (4096, 200), 0, NUM_EMBEDDINGS, dtype=jnp.int64 if jax.config.jax_enable_x64 else jnp.int32)
    table = jax.random.normal(k2, (NUM_EMBEDDINGS, EMBEDDING_DIM), dtype=jnp.float32) * 0.02
    return {"input_ids": input_ids, "table": table}

def reference(input_ids, table):
    # torch.nn.Embedding lookup: table[input_ids]
    return jnp.take(table, input_ids, axis=0)

if __name__ == "__main__":
    import jax
    _d = setup_inputs()
    print(jax.jit(kernel)(*tuple(_d.values())))

</pallas_src>

<mosaic_0001>
#map = affine_map<(d0, d1) -> (0, 0)>
module attributes {stable_mosaic.version = 14 : i64} {
  func.func @_emb_lookup(%arg0: i32, %arg1: i32, %arg2: memref<4096x200xi32, #tpu.memory_space<hbm>>, %arg3: memref<1000000x128xf32, #tpu.memory_space<hbm>>, %arg4: memref<819200x128xf32, #tpu.memory_space<hbm>>, %arg5: memref<128x200xi32, #tpu.memory_space<vmem>>, %arg6: memref<3x200x128xf32, #tpu.memory_space<vmem>>, %arg7: memref<!tpu.dma_semaphore, #tpu.memory_space<semaphore_mem>>, %arg8: memref<!tpu.dma_semaphore, #tpu.memory_space<semaphore_mem>>, %arg9: memref<!tpu.dma_semaphore, #tpu.memory_space<semaphore_mem>>, %arg10: memref<!tpu.dma_semaphore, #tpu.memory_space<semaphore_mem>>, %arg11: memref<!tpu.dma_semaphore, #tpu.memory_space<semaphore_mem>>, %arg12: memref<!tpu.dma_semaphore, #tpu.memory_space<semaphore_mem>>) attributes {dimension_semantics = [#tpu.dimension_semantics<core_parallel>, #tpu.dimension_semantics<subcore_parallel>], iteration_bounds = array<i64: 2, 16>, scalar_prefetch = 0 : i64, scratch_operands = 8 : i64, tpu.core_type = #tpu.core_type<sc_vector_subcore>, window_params = [{transform_indices = #map}, {transform_indices = #map}, {transform_indices = #map}]} {
    %mul3A = arith.constant 16 : i32
    %mul3A_0 = arith.muli %arg0, %mul3A : i32
    %add3A = arith.addi %mul3A_0, %arg1 : i32
    %mul3A_1 = arith.constant 25600 : i32
    %mul3A_2 = arith.muli %add3A, %mul3A_1 : i32
    %mul3A_3 = arith.constant 128 : i32
    %mul3A_4 = arith.muli %add3A, %mul3A_3 : i32
    "tpu.region"() ({
      %run_scoped3A = tpu.sem_alloc : memref<!tpu.dma_semaphore, #tpu.memory_space<semaphore_mem>>
      %dma_start3A_560 = arith.constant 0 : i32
      %dma_start3A_561 = tpu.memref_slice %arg2[%mul3A_4, %dma_start3A_560] : memref<4096x200xi32, #tpu.memory_space<hbm>> -> memref<128x200xi32, #tpu.memory_space<hbm>>
      %dma_start3A_562 = arith.constant 0 : i32
      %dma_start3A_563 = tpu.memref_slice %arg2[%mul3A_4, %dma_start3A_562] : memref<4096x200xi32, #tpu.memory_space<hbm>> -> memref<128x200xi32, #tpu.memory_space<hbm>>
      tpu.enqueue_dma source(%dma_start3A_563 : memref<128x200xi32, #tpu.memory_space<hbm>>) target(%arg5 : memref<128x200xi32, #tpu.memory_space<vmem>>) target_semaphore(%run_scoped3A : memref<!tpu.dma_semaphore, #tpu.memory_space<semaphore_mem>>)
      %dma_wait3A_564 = arith.constant 0 : i32
      %dma_wait3A_565 = tpu.memref_slice %arg2[%mul3A_4, %dma_wait3A_564] : memref<4096x200xi32, #tpu.memory_space<hbm>> -> memref<128x200xi32, #tpu.memory_space<hbm>>
      %dma_wait3A_566 = arith.constant 0 : i32
      %dma_wait3A_567 = tpu.memref_slice %arg2[%mul3A_4, %dma_wait3A_566] : memref<4096x200xi32, #tpu.memory_space<hbm>> -> memref<128x200xi32, #tpu.memory_space<hbm>>
      tpu.wait_dma2 semaphore(%run_scoped3A : memref<!tpu.dma_semaphore, #tpu.memory_space<semaphore_mem>>) src(%dma_wait3A_567 : memref<128x200xi32, #tpu.memory_space<hbm>>) dst(%arg5 : memref<128x200xi32, #tpu.memory_space<vmem>>)
      tpu.yield
    }) : () -> ()
    %dma_start3A = arith.constant 0 : i32
    %dma_start3A_5 = arith.constant 0 : i32
    %dma_start3A_6 = arith.constant 0 : i32
    %dma_start3A_7 = arith.constant 0 : i32
    %dma_start3A_8 = tpu.memref_slice %arg6[%dma_start3A_5, %dma_start3A_6, %dma_start3A_7] : memref<3x200x128xf32, #tpu.memory_space<vmem>> -> memref<1x128x128xf32, #tpu.memory_space<vmem>>
    %dma_start3A_9 = tpu.memref_squeeze %dma_start3A_8 : memref<1x128x128xf32, #tpu.memory_space<vmem>> -> memref<128x128xf32, #tpu.memory_space<vmem>>
    %dma_start3A_10 = arith.constant 0 : i32
    %dma_start3A_11 = tpu.memref_slice %arg5[%dma_start3A, %dma_start3A_10] : memref<128x200xi32, #tpu.memory_space<vmem>> -> memref<1x128xi32, #tpu.memory_space<vmem>>
    %dma_start3A_12 = tpu.memref_squeeze %dma_start3A_11 : memref<1x128xi32, #tpu.memory_space<vmem>> -> memref<128xi32, #tpu.memory_space<vmem>>
    %dma_start3A_13 = arith.constant 0 : i32
    %dma_start3A_14 = arith.constant 0 : i32
    %dma_start3A_15 = tpu.memref_slice %arg3[%dma_start3A_13, %dma_start3A_14] : memref<1000000x128xf32, #tpu.memory_space<hbm>> -> memref<1000000x128xf32, #tpu.memory_space<hbm>>
    tpu.enqueue_indirect_dma source(%dma_start3A_15 : memref<1000000x128xf32, #tpu.memory_space<hbm>>) target(%dma_start3A_9 : memref<128x128xf32, #tpu.memory_space<vmem>>) offsets(%dma_start3A_12 : memref<128xi32, #tpu.memory_space<vmem>>) semaphore(%arg7 : memref<!tpu.dma_semaphore, #tpu.memory_space<semaphore_mem>>)
    %dma_start3A_16 = arith.constant 0 : i32
    %dma_start3A_17 = arith.constant 0 : i32
    %dma_start3A_18 = arith.constant 128 : i32
    %dma_start3A_19 = arith.constant 0 : i32
    %dma_start3A_20 = tpu.memref_slice %arg6[%dma_start3A_17, %dma_start3A_18, %dma_start3A_19] : memref<3x200x128xf32, #tpu.memory_space<vmem>> -> memref<1x72x128xf32, #tpu.memory_space<vmem>>
    %dma_start3A_21 = tpu.memref_squeeze %dma_start3A_20 : memref<1x72x128xf32, #tpu.memory_space<vmem>> -> memref<72x128xf32, #tpu.memory_space<vmem>>
    %dma_start3A_22 = arith.constant 128 : i32
    %dma_start3A_23 = tpu.memref_slice %arg5[%dma_start3A_16, %dma_start3A_22] : memref<128x200xi32, #tpu.memory_space<vmem>> -> memref<1x72xi32, #tpu.memory_space<vmem>>
    %dma_start3A_24 = tpu.memref_squeeze %dma_start3A_23 : memref<1x72xi32, #tpu.memory_space<vmem>> -> memref<72xi32, #tpu.memory_space<vmem>>
    %dma_start3A_25 = arith.constant 0 : i32
    %dma_start3A_26 = arith.constant 0 : i32
    %dma_start3A_27 = tpu.memref_slice %arg3[%dma_start3A_25, %dma_start3A_26] : memref<1000000x128xf32, #tpu.memory_space<hbm>> -> memref<1000000x128xf32, #tpu.memory_space<hbm>>
    tpu.enqueue_indirect_dma source(%dma_start3A_27 : memref<1000000x128xf32, #tpu.memory_space<hbm>>) target(%dma_start3A_21 : memref<72x128xf32, #tpu.memory_space<vmem>>) offsets(%dma_start3A_24 : memref<72xi32, #tpu.memory_space<vmem>>) semaphore(%arg7 : memref<!tpu.dma_semaphore, #tpu.memory_space<semaphore_mem>>)
    %dma_start3A_28 = arith.constant 1 : i32
    %dma_start3A_29 = arith.constant 1 : i32
    %dma_start3A_30 = arith.constant 0 : i32
    %dma_start3A_31 = arith.constant 0 : i32
    %dma_start3A_32 = tpu.memref_slice %arg6[%dma_start3A_29, %dma_start3A_30, %dma_start3A_31] : memref<3x200x128xf32, #tpu.memory_space<vmem>> -> memref<1x128x128xf32, #tpu.memory_space<vmem>>
    %dma_start3A_33 = tpu.memref_squeeze %dma_start3A_32 : memref<1x128x128xf32, #tpu.memory_space<vmem>> -> memref<128x128xf32, #tpu.memory_space<vmem>>
    %dma_start3A_34 = arith.constant 0 : i32
    %dma_start3A_35 = tpu.memref_slice %arg5[%dma_start3A_28, %dma_start3A_34] : memref<128x200xi32, #tpu.memory_space<vmem>> -> memref<1x128xi32, #tpu.memory_space<vmem>>
    %dma_start3A_36 = tpu.memref_squeeze %dma_start3A_35 : memref<1x128xi32, #tpu.memory_space<vmem>> -> memref<128xi32, #tpu.memory_space<vmem>>
    %dma_start3A_37 = arith.constant 0 : i32
    %dma_start3A_38 = arith.constant 0 : i32
    %dma_start3A_39 = tpu.memref_slice %arg3[%dma_start3A_37, %dma_start3A_38] : memref<1000000x128xf32, #tpu.memory_space<hbm>> -> memref<1000000x128xf32, #tpu.memory_space<hbm>>
    tpu.enqueue_indirect_dma source(%dma_start3A_39 : memref<1000000x128xf32, #tpu.memory_space<hbm>>) target(%dma_start3A_33 : memref<128x128xf32, #tpu.memory_space<vmem>>) offsets(%dma_start3A_36 : memref<128xi32, #tpu.memory_space<vmem>>) semaphore(%arg8 : memref<!tpu.dma_semaphore, #tpu.memory_space<semaphore_mem>>)
    %dma_start3A_40 = arith.constant 1 : i32
    %dma_start3A_41 = arith.constant 1 : i32
    %dma_start3A_42 = arith.constant 128 : i32
    %dma_start3A_43 = arith.constant 0 : i32
    %dma_start3A_44 = tpu.memref_slice %arg6[%dma_start3A_41, %dma_start3A_42, %dma_start3A_43] : memref<3x200x128xf32, #tpu.memory_space<vmem>> -> memref<1x72x128xf32, #tpu.memory_space<vmem>>
    %dma_start3A_45 = tpu.memref_squeeze %dma_start3A_44 : memref<1x72x128xf32, #tpu.memory_space<vmem>> -> memref<72x128xf32, #tpu.memory_space<vmem>>
    %dma_start3A_46 = arith.constant 128 : i32
    %dma_start3A_47 = tpu.memref_slice %arg5[%dma_start3A_40, %dma_start3A_46] : memref<128x200xi32, #tpu.memory_space<vmem>> -> memref<1x72xi32, #tpu.memory_space<vmem>>
    %dma_start3A_48 = tpu.memref_squeeze %dma_start3A_47 : memref<1x72xi32, #tpu.memory_space<vmem>> -> memref<72xi32, #tpu.memory_space<vmem>>
    %dma_start3A_49 = arith.constant 0 : i32
    %dma_start3A_50 = arith.constant 0 : i32
    %dma_start3A_51 = tpu.memref_slice %arg3[%dma_start3A_49, %dma_start3A_50] : memref<1000000x128xf32, #tpu.memory_space<hbm>> -> memref<1000000x128xf32, #tpu.memory_space<hbm>>
    tpu.enqueue_indirect_dma source(%dma_start3A_51 : memref<1000000x128xf32, #tpu.memory_space<hbm>>) target(%dma_start3A_45 : memref<72x128xf32, #tpu.memory_space<vmem>>) offsets(%dma_start3A_48 : memref<72xi32, #tpu.memory_space<vmem>>) semaphore(%arg8 : memref<!tpu.dma_semaphore, #tpu.memory_space<semaphore_mem>>)
    %dma_start3A_52 = arith.constant 2 : i32
    %dma_start3A_53 = arith.constant 2 : i32
    %dma_start3A_54 = arith.constant 0 : i32
    %dma_start3A_55 = arith.constant 0 : i32
    %dma_start3A_56 = tpu.memref_slice %arg6[%dma_start3A_53, %dma_start3A_54, %dma_start3A_55] : memref<3x200x128xf32, #tpu.memory_space<vmem>> -> memref<1x128x128xf32, #tpu.memory_space<vmem>>
    %dma_start3A_57 = tpu.memref_squeeze %dma_start3A_56 : memref<1x128x128xf32, #tpu.memory_space<vmem>> -> memref<128x128xf32, #tpu.memory_space<vmem>>
    %dma_start3A_58 = arith.constant 0 : i32
    %dma_start3A_59 = tpu.memref_slice %arg5[%dma_start3A_52, %dma_start3A_58] : memref<128x200xi32, #tpu.memory_space<vmem>> -> memref<1x128xi32, #tpu.memory_space<vmem>>
    %dma_start3A_60 = tpu.memref_squeeze %dma_start3A_59 : memref<1x128xi32, #tpu.memory_space<vmem>> -> memref<128xi32, #tpu.memory_space<vmem>>
    %dma_start3A_61 = arith.constant 0 : i32
    %dma_start3A_62 = arith.constant 0 : i32
    %dma_start3A_63 = tpu.memref_slice %arg3[%dma_start3A_61, %dma_start3A_62] : memref<1000000x128xf32, #tpu.memory_space<hbm>> -> memref<1000000x128xf32, #tpu.memory_space<hbm>>
    tpu.enqueue_indirect_dma source(%dma_start3A_63 : memref<1000000x128xf32, #tpu.memory_space<hbm>>) target(%dma_start3A_57 : memref<128x128xf32, #tpu.memory_space<vmem>>) offsets(%dma_start3A_60 : memref<128xi32, #tpu.memory_space<vmem>>) semaphore(%arg9 : memref<!tpu.dma_semaphore, #tpu.memory_space<semaphore_mem>>)
    %dma_start3A_64 = arith.constant 2 : i32
    %dma_start3A_65 = arith.constant 2 : i32
    %dma_start3A_66 = arith.constant 128 : i32
    %dma_start3A_67 = arith.constant 0 : i32
    %dma_start3A_68 = tpu.memref_slice %arg6[%dma_start3A_65, %dma_start3A_66, %dma_start3A_67] : memref<3x200x128xf32, #tpu.memory_space<vmem>> -> memref<1x72x128xf32, #tpu.memory_space<vmem>>
    %dma_start3A_69 = tpu.memref_squeeze %dma_start3A_68 : memref<1x72x128xf32, #tpu.memory_space<vmem>> -> memref<72x128xf32, #tpu.memory_space<vmem>>
    %dma_start3A_70 = arith.constant 128 : i32
    %dma_start3A_71 = tpu.memref_slice %arg5[%dma_start3A_64, %dma_start3A_70] : memref<128x200xi32, #tpu.memory_space<vmem>> -> memref<1x72xi32, #tpu.memory_space<vmem>>
    %dma_start3A_72 = tpu.memref_squeeze %dma_start3A_71 : memref<1x72xi32, #tpu.memory_space<vmem>> -> memref<72xi32, #tpu.memory_space<vmem>>
    %dma_start3A_73 = arith.constant 0 : i32
    %dma_start3A_74 = arith.constant 0 : i32
    %dma_start3A_75 = tpu.memref_slice %arg3[%dma_start3A_73, %dma_start3A_74] : memref<1000000x128xf32, #tpu.memory_space<hbm>> -> memref<1000000x128xf32, #tpu.memory_space<hbm>>
    tpu.enqueue_indirect_dma source(%dma_start3A_75 : memref<1000000x128xf32, #tpu.memory_space<hbm>>) target(%dma_start3A_69 : memref<72x128xf32, #tpu.memory_space<vmem>>) offsets(%dma_start3A_72 : memref<72xi32, #tpu.memory_space<vmem>>) semaphore(%arg9 : memref<!tpu.dma_semaphore, #tpu.memory_space<semaphore_mem>>)
    %dma_wait3A = arith.constant 0 : i32
    %dma_wait3A_76 = arith.constant 0 : i32
    %dma_wait3A_77 = arith.constant 0 : i32
    %dma_wait3A_78 = tpu.memref_slice %arg6[%dma_wait3A, %dma_wait3A_76, %dma_wait3A_77] : memref<3x200x128xf32, #tpu.memory_space<vmem>> -> memref<1x200x128xf32, #tpu.memory_space<vmem>>
    %dma_wait3A_79 = tpu.memref_squeeze %dma_wait3A_78 : memref<1x200x128xf32, #tpu.memory_space<vmem>> -> memref<200x128xf32, #tpu.memory_space<vmem>>
    %dma_wait3A_80 = arith.constant 0 : i32
    %dma_wait3A_81 = arith.constant 0 : i32
    %dma_wait3A_82 = tpu.memref_slice %arg3[%dma_wait3A_80, %dma_wait3A_81] : memref<1000000x128xf32, #tpu.memory_space<hbm>> -> memref<200x128xf32, #tpu.memory_space<hbm>>
    %dma_wait3A_83 = arith.constant 0 : i32
    %dma_wait3A_84 = arith.constant 0 : i32
    %dma_wait3A_85 = tpu.memref_slice %arg6[%dma_wait3A, %dma_wait3A_83, %dma_wait3A_84] : memref<3x200x128xf32, #tpu.memory_space<vmem>> -> memref<1x200x128xf32, #tpu.memory_space<vmem>>
    %dma_wait3A_86 = tpu.memref_squeeze %dma_wait3A_85 : memref<1x200x128xf32, #tpu.memory_space<vmem>> -> memref<200x128xf32, #tpu.memory_space<vmem>>
    %dma_wait3A_87 = arith.constant 0 : i32
    %dma_wait3A_88 = arith.constant 0 : i32
    %dma_wait3A_89 = tpu.memref_slice %arg3[%dma_wait3A_87, %dma_wait3A_88] : memref<1000000x128xf32, #tpu.memory_space<hbm>> -> memref<200x128xf32, #tpu.memory_space<hbm>>
    tpu.wait_dma2 semaphore(%arg7 : memref<!tpu.dma_semaphore, #tpu.memory_space<semaphore_mem>>) src(%dma_wait3A_89 : memref<200x128xf32, #tpu.memory_space<hbm>>) dst(%dma_wait3A_86 : memref<200x128xf32, #tpu.memory_space<vmem>>)
    %add3A_90 = arith.constant 0 : i32
    %add3A_91 = arith.addi %mul3A_2, %add3A_90 : i32
    %dma_start3A_92 = arith.constant 0 : i32
    %dma_start3A_93 = arith.constant 0 : i32
    %dma_start3A_94 = arith.constant 0 : i32
    %dma_start3A_95 = tpu.memref_slice %arg6[%dma_start3A_92, %dma_start3A_93, %dma_start3A_94] : memref<3x200x128xf32, #tpu.memory_space<vmem>> -> memref<1x200x128xf32, #tpu.memory_space<vmem>>
    %dma_start3A_96 = tpu.memref_squeeze %dma_start3A_95 : memref<1x200x128xf32, #tpu.memory_space<vmem>> -> memref<200x128xf32, #tpu.memory_space<vmem>>
    %dma_start3A_97 = arith.constant 0 : i32
    %dma_start3A_98 = tpu.memref_slice %arg4[%add3A_91, %dma_start3A_97] : memref<819200x128xf32, #tpu.memory_space<hbm>> -> memref<200x128xf32, #tpu.memory_space<hbm>>
    %dma_start3A_99 = arith.constant 0 : i32
    %dma_start3A_100 = tpu.memref_slice %arg4[%add3A_91, %dma_start3A_99] : memref<819200x128xf32, #tpu.memory_space<hbm>> -> memref<200x128xf32, #tpu.memory_space<hbm>>
    %dma_start3A_101 = arith.constant 0 : i32
    %dma_start3A_102 = arith.constant 0 : i32
    %dma_start3A_103 = tpu.memref_slice %arg6[%dma_start3A_92, %dma_start3A_101, %dma_start3A_102] : memref<3x200x128xf32, #tpu.memory_space<vmem>> -> memref<1x200x128xf32, #tpu.memory_space<vmem>>
    %dma_start3A_104 = tpu.memref_squeeze %dma_start3A_103 : memref<1x200x128xf32, #tpu.memory_space<vmem>> -> memref<200x128xf32, #tpu.memory_space<vmem>>
    tpu.enqueue_dma source(%dma_start3A_104 : memref<200x128xf32, #tpu.memory_space<vmem>>) target(%dma_start3A_100 : memref<200x128xf32, #tpu.memory_space<hbm>>) target_semaphore(%arg10 : memref<!tpu.dma_semaphore, #tpu.memory_space<semaphore_mem>>)
    %dma_wait3A_105 = arith.constant 0 : i32
    %dma_wait3A_106 = arith.constant 0 : i32
    %dma_wait3A_107 = arith.constant 0 : i32
    %dma_wait3A_108 = tpu.memref_slice %arg6[%dma_wait3A_105, %dma_wait3A_106, %dma_wait3A_107] : memref<3x200x128xf32, #tpu.memory_space<vmem>> -> memref<1x200x128xf32, #tpu.memory_space<vmem>>
    %dma_wait3A_109 = tpu.memref_squeeze %dma_wait3A_108 : memref<1x200x128xf32, #tpu.memory_space<vmem>> -> memref<200x128xf32, #tpu.memory_space<vmem>>
    %dma_wait3A_110 = arith.constant 0 : i32
    %dma_wait3A_111 = arith.constant 0 : i32
    %dma_wait3A_112 = tpu.memref_slice %arg4[%dma_wait3A_110, %dma_wait3A_111] : memref<819200x128xf32, #tpu.memory_space<hbm>> -> memref<200x128xf32, #tpu.memory_space<hbm>>
    %dma_wait3A_113 = arith.constant 0 : i32
    %dma_wait3A_114 = arith.constant 0 : i32
    %dma_wait3A_115 = tpu.memref_slice %arg4[%dma_wait3A_113, %dma_wait3A_114] : memref<819200x128xf32, #tpu.memory_space<hbm>> -> memref<200x128xf32, #tpu.memory_space<hbm>>
    %dma_wait3A_116 = arith.constant 0 : i32
    %dma_wait3A_117 = arith.constant 0 : i32
    %dma_wait3A_118 = tpu.memref_slice %arg6[%dma_wait3A_105, %dma_wait3A_116, %dma_wait3A_117] : memref<3x200x128xf32, #tpu.memory_space<vmem>> -> memref<1x200x128xf32, #tpu.memory_space<vmem>>
    %dma_wait3A_119 = tpu.memref_squeeze %dma_wait3A_118 : memref<1x200x128xf32, #tpu.memory_space<vmem>> -> memref<200x128xf32, #tpu.memory_space<vmem>>
    tpu.wait_dma2 semaphore(%arg10 : memref<!tpu.dma_semaphore, #tpu.memory_space<semaphore_mem>>) src(%dma_wait3A_119 : memref<200x128xf32, #tpu.memory_space<vmem>>) dst(%dma_wait3A_115 : memref<200x128xf32, #tpu.memory_space<hbm>>)
    %dma_start3A_120 = arith.constant 3 : i32
    %dma_start3A_121 = arith.constant 0 : i32
    %dma_start3A_122 = arith.constant 0 : i32
    %dma_start3A_123 = arith.constant 0 : i32
    %dma_start3A_124 = tpu.memref_slice %arg6[%dma_start3A_121, %dma_start3A_122, %dma_start3A_123] : memref<3x200x128xf32, #tpu.memory_space<vmem>> -> memref<1x128x128xf32, #tpu.memory_space<vmem>>
    %dma_start3A_125 = tpu.memref_squeeze %dma_start3A_124 : memref<1x128x128xf32, #tpu.memory_space<vmem>> -> memref<128x128xf32, #tpu.memory_space<vmem>>
    %dma_start3A_126 = arith.constant 0 : i32
    %dma_start3A_127 = tpu.memref_slice %arg5[%dma_start3A_120, %dma_start3A_126] : memref<128x200xi32, #tpu.memory_space<vmem>> -> memref<1x128xi32, #tpu.memory_space<vmem>>
    %dma_start3A_128 = tpu.memref_squeeze %dma_start3A_127 : memref<1x128xi32, #tpu.memory_space<vmem>> -> memref<128xi32, #tpu.memory_space<vmem>>
    %dma_start3A_129 = arith.constant 0 : i32
    %dma_start3A_130 = arith.constant 0 : i32
    %dma_start3A_131 = tpu.memref_slice %arg3[%dma_start3A_129, %dma_start3A_130] : memref<1000000x128xf32, #tpu.memory_space<hbm>> -> memref<1000000x128xf32, #tpu.memory_space<hbm>>
    tpu.enqueue_indirect_dma source(%dma_start3A_131 : memref<1000000x128xf32, #tpu.memory_space<hbm>>) target(%dma_start3A_125 : memref<128x128xf32, #tpu.memory_space<vmem>>) offsets(%dma_start3A_128 : memref<128xi32, #tpu.memory_space<vmem>>) semaphore(%arg7 : memref<!tpu.dma_semaphore, #tpu.memory_space<semaphore_mem>>)
    %dma_start3A_132 = arith.constant 3 : i32
    %dma_start3A_133 = arith.constant 0 : i32
    %dma_start3A_134 = arith.constant 128 : i32
    %dma_start3A_135 = arith.constant 0 : i32
    %dma_start3A_136 = tpu.memref_slice %arg6[%dma_start3A_133, %dma_start3A_134, %dma_start3A_135] : memref<3x200x128xf32, #tpu.memory_space<vmem>> -> memref<1x72x128xf32, #tpu.memory_space<vmem>>
    %dma_start3A_137 = tpu.memref_squeeze %dma_start3A_136 : memref<1x72x128xf32, #tpu.memory_space<vmem>> -> memref<72x128xf32, #tpu.memory_space<vmem>>
    %dma_start3A_138 = arith.constant 128 : i32
    %dma_start3A_139 = tpu.memref_slice %arg5[%dma_start3A_132, %dma_start3A_138] : memref<128x200xi32, #tpu.memory_space<vmem>> -> memref<1x72xi32, #tpu.memory_space<vmem>>
    %dma_start3A_140 = tpu.memref_squeeze %dma_start3A_139 : memref<1x72xi32, #tpu.memory_space<vmem>> -> memref<72xi32, #tpu.memory_space<vmem>>
    %dma_start3A_141 = arith.constant 0 : i32
    %dma_start3A_142 = arith.constant 0 : i32
    %dma_start3A_143 = tpu.memref_slice %arg3[%dma_start3A_141, %dma_start3A_142] : memref<1000000x128xf32, #tpu.memory_space<hbm>> -> memref<1000000x128xf32, #tpu.memory_space<hbm>>
    tpu.enqueue_indirect_dma source(%dma_start3A_143 : memref<1000000x128xf32, #tpu.memory_space<hbm>>) target(%dma_start3A_137 : memref<72x128xf32, #tpu.memory_space<vmem>>) offsets(%dma_start3A_140 : memref<72xi32, #tpu.memory_space<vmem>>) semaphore(%arg7 : memref<!tpu.dma_semaphore, #tpu.memory_space<semaphore_mem>>)
    %dma_wait3A_144 = arith.constant 1 : i32
    %dma_wait3A_145 = arith.constant 0 : i32
    %dma_wait3A_146 = arith.constant 0 : i32
    %dma_wait3A_147 = tpu.memref_slice %arg6[%dma_wait3A_144, %dma_wait3A_145, %dma_wait3A_146] : memref<3x200x128xf32, #tpu.memory_space<vmem>> -> memref<1x200x128xf32, #tpu.memory_space<vmem>>
    %dma_wait3A_148 = tpu.memref_squeeze %dma_wait3A_147 : memref<1x200x128xf32, #tpu.memory_space<vmem>> -> memref<200x128xf32, #tpu.memory_space<vmem>>
    %dma_wait3A_149 = arith.constant 0 : i32
    %dma_wait3A_150 = arith.constant 0 : i32
    %dma_wait3A_151 = tpu.memref_slice %arg3[%dma_wait3A_149, %dma_wait3A_150] : memref<1000000x128xf32, #tpu.memory_space<hbm>> -> memref<200x128xf32, #tpu.memory_space<hbm>>
    %dma_wait3A_152 = arith.constant 0 : i32
    %dma_wait3A_153 = arith.constant 0 : i32
    %dma_wait3A_154 = tpu.memref_slice %arg6[%dma_wait3A_144, %dma_wait3A_152, %dma_wait3A_153] : memref<3x200x128xf32, #tpu.memory_space<vmem>> -> memref<1x200x128xf32, #tpu.memory_space<vmem>>
    %dma_wait3A_155 = tpu.memref_squeeze %dma_wait3A_154 : memref<1x200x128xf32, #tpu.memory_space<vmem>> -> memref<200x128xf32, #tpu.memory_space<vmem>>
    %dma_wait3A_156 = arith.constant 0 : i32
    %dma_wait3A_157 = arith.constant 0 : i32
    %dma_wait3A_158 = tpu.memref_slice %arg3[%dma_wait3A_156, %dma_wait3A_157] : memref<1000000x128xf32, #tpu.memory_space<hbm>> -> memref<200x128xf32, #tpu.memory_space<hbm>>
    tpu.wait_dma2 semaphore(%arg8 : memref<!tpu.dma_semaphore, #tpu.memory_space<semaphore_mem>>) src(%dma_wait3A_158 : memref<200x128xf32, #tpu.memory_space<hbm>>) dst(%dma_wait3A_155 : memref<200x128xf32, #tpu.memory_space<vmem>>)
    %add3A_159 = arith.constant 200 : i32
    %add3A_160 = arith.addi %mul3A_2, %add3A_159 : i32
    %dma_start3A_161 = arith.constant 1 : i32
    %dma_start3A_162 = arith.constant 0 : i32
    %dma_start3A_163 = arith.constant 0 : i32
    %dma_start3A_164 = tpu.memref_slice %arg6[%dma_start3A_161, %dma_start3A_162, %dma_start3A_163] : memref<3x200x128xf32, #tpu.memory_space<vmem>> -> memref<1x200x128xf32, #tpu.memory_space<vmem>>
    %dma_start3A_165 = tpu.memref_squeeze %dma_start3A_164 : memref<1x200x128xf32, #tpu.memory_space<vmem>> -> memref<200x128xf32, #tpu.memory_space<vmem>>
    %dma_start3A_166 = arith.constant 0 : i32
    %dma_start3A_167 = tpu.memref_slice %arg4[%add3A_160, %dma_start3A_166] : memref<819200x128xf32, #tpu.memory_space<hbm>> -> memref<200x128xf32, #tpu.memory_space<hbm>>
    %dma_start3A_168 = arith.constant 0 : i32
    %dma_start3A_169 = tpu.memref_slice %arg4[%add3A_160, %dma_start3A_168] : memref<819200x128xf32, #tpu.memory_space<hbm>> -> memref<200x128xf32, #tpu.memory_space<hbm>>
    %dma_start3A_170 = arith.constant 0 : i32
    %dma_start3A_171 = arith.constant 0 : i32
    %dma_start3A_172 = tpu.memref_slice %arg6[%dma_start3A_161, %dma_start3A_170, %dma_start3A_171] : memref<3x200x128xf32, #tpu.memory_space<vmem>> -> memref<1x200x128xf32, #tpu.memory_space<vmem>>
    %dma_start3A_173 = tpu.memref_squeeze %dma_start3A_172 : memref<1x200x128xf32, #tpu.memory_space<vmem>> -> memref<200x128xf32, #tpu.memory_space<vmem>>
    tpu.enqueue_dma source(%dma_start3A_173 : memref<200x128xf32, #tpu.memory_space<vmem>>) target(%dma_start3A_169 : memref<200x128xf32, #tpu.memory_space<hbm>>) target_semaphore(%arg11 : memref<!tpu.dma_semaphore, #tpu.memory_space<semaphore_mem>>)
    %scan3A = arith.constant 0 : i32
    %scan3A_174 = arith.constant 0 : i32
    %scan3A_175 = arith.constant 40 : i32
    %scan3A_176 = arith.addi %scan3A_174, %scan3A_175 : i32
    %scan3A_177 = arith.constant 1 : i32
    scf.for %scan3A_560 = %scan3A_174 to %scan3A_176 step %scan3A_177  : i32 {
      %mul3A_561 = arith.constant 3 : i32
      %mul3A_562 = arith.muli %mul3A_561, %scan3A_560 : i32
      %add3A_563 = arith.constant 2 : i32
      %add3A_564 = arith.addi %mul3A_562, %add3A_563 : i32
      %dma_wait3A_565 = arith.constant 1 : i32
      %dma_wait3A_566 = arith.constant 0 : i32
      %dma_wait3A_567 = arith.constant 0 : i32
      %dma_wait3A_568 = tpu.memref_slice %arg6[%dma_wait3A_565, %dma_wait3A_566, %dma_wait3A_567] : memref<3x200x128xf32, #tpu.memory_space<vmem>> -> memref<1x200x128xf32, #tpu.memory_space<vmem>>
      %dma_wait3A_569 = tpu.memref_squeeze %dma_wait3A_568 : memref<1x200x128xf32, #tpu.memory_space<vmem>> -> memref<200x128xf32, #tpu.memory_space<vmem>>
      %dma_wait3A_570 = arith.constant 0 : i32
      %dma_wait3A_571 = arith.constant 0 : i32
      %dma_wait3A_572 = tpu.memref_slice %arg4[%dma_wait3A_570, %dma_wait3A_571] : memref<819200x128xf32, #tpu.memory_space<hbm>> -> memref<200x128xf32, #tpu.memory_space<hbm>>
      %dma_wait3A_573 = arith.constant 0 : i32
      %dma_wait3A_574 = arith.constant 0 : i32
      %dma_wait3A_575 = tpu.memref_slice %arg4[%dma_wait3A_573, %dma_wait3A_574] : memref<819200x128xf32, #tpu.memory_space<hbm>> -> memref<200x128xf32, #tpu.memory_space<hbm>>
      %dma_wait3A_576 = arith.constant 0 : i32
      %dma_wait3A_577 = arith.constant 0 : i32
      %dma_wait3A_578 = tpu.memref_slice %arg6[%dma_wait3A_565, %dma_wait3A_576, %dma_wait3A_577] : memref<3x200x128xf32, #tpu.memory_space<vmem>> -> memref<1x200x128xf32, #tpu.memory_space<vmem>>
      %dma_wait3A_579 = tpu.memref_squeeze %dma_wait3A_578 : memref<1x200x128xf32, #tpu.memory_space<vmem>> -> memref<200x128xf32, #tpu.memory_space<vmem>>
      tpu.wait_dma2 semaphore(%arg11 : memref<!tpu.dma_semaphore, #tpu.memory_space<semaphore_mem>>) src(%dma_wait3A_579 : memref<200x128xf32, #tpu.memory_space<vmem>>) dst(%dma_wait3A_575 : memref<200x128xf32, #tpu.memory_space<hbm>>)
      %add3A_580 = arith.constant 2 : i32
      %add3A_581 = arith.addi %add3A_564, %add3A_580 : i32
      %dma_start3A_582 = arith.constant 1 : i32
      %dma_start3A_583 = arith.constant 0 : i32
      %dma_start3A_584 = arith.constant 0 : i32
      %dma_start3A_585 = tpu.memref_slice %arg6[%dma_start3A_582, %dma_start3A_583, %dma_start3A_584] : memref<3x200x128xf32, #tpu.memory_space<vmem>> -> memref<1x128x128xf32, #tpu.memory_space<vmem>>
      %dma_start3A_586 = tpu.memref_squeeze %dma_start3A_585 : memref<1x128x128xf32, #tpu.memory_space<vmem>> -> memref<128x128xf32, #tpu.memory_space<vmem>>
      %dma_start3A_587 = arith.constant 0 : i32
      %dma_start3A_588 = tpu.memref_slice %arg5[%add3A_581, %dma_start3A_587] : memref<128x200xi32, #tpu.memory_space<vmem>> -> memref<1x128xi32, #tpu.memory_space<vmem>>
      %dma_start3A_589 = tpu.memref_squeeze %dma_start3A_588 : memref<1x128xi32, #tpu.memory_space<vmem>> -> memref<128xi32, #tpu.memory_space<vmem>>
      %dma_start3A_590 = arith.constant 0 : i32
      %dma_start3A_591 = arith.constant 0 : i32
      %dma_start3A_592 = tpu.memref_slice %arg3[%dma_start3A_590, %dma_start3A_591] : memref<1000000x128xf32, #tpu.memory_space<hbm>> -> memref<1000000x128xf32, #tpu.memory_space<hbm>>
      tpu.enqueue_indirect_dma source(%dma_start3A_592 : memref<1000000x128xf32, #tpu.memory_space<hbm>>) target(%dma_start3A_586 : memref<128x128xf32, #tpu.memory_space<vmem>>) offsets(%dma_start3A_589 : memref<128xi32, #tpu.memory_space<vmem>>) semaphore(%arg8 : memref<!tpu.dma_semaphore, #tpu.memory_space<semaphore_mem>>)
      %dma_start3A_593 = arith.constant 1 : i32
      %dma_start3A_594 = arith.constant 128 : i32
      %dma_start3A_595 = arith.constant 0 : i32
      %dma_start3A_596 = tpu.memref_slice %arg6[%dma_start3A_593, %dma_start3A_594, %dma_start3A_595] : memref<3x200x128xf32, #tpu.memory_space<vmem>> -> memref<1x72x128xf32, #tpu.memory_space<vmem>>
      %dma_start3A_597 = tpu.memref_squeeze %dma_start3A_596 : memref<1x72x128xf32, #tpu.memory_space<vmem>> -> memref<72x128xf32, #tpu.memory_space<vmem>>
      %dma_start3A_598 = arith.constant 128 : i32
      %dma_start3A_599 = tpu.memref_slice %arg5[%add3A_581, %dma_start3A_598] : memref<128x200xi32, #tpu.memory_space<vmem>> -> memref<1x72xi32, #tpu.memory_space<vmem>>
      %dma_start3A_600 = tpu.memref_squeeze %dma_start3A_599 : memref<1x72xi32, #tpu.memory_space<vmem>> -> memref<72xi32, #tpu.memory_space<vmem>>
      %dma_start3A_601 = arith.constant 0 : i32
      %dma_start3A_602 = arith.constant 0 : i32
      %dma_start3A_603 = tpu.memref_slice %arg3[%dma_start3A_601, %dma_start3A_602] : memref<1000000x128xf32, #tpu.memory_space<hbm>> -> memref<1000000x128xf32, #tpu.memory_space<hbm>>
      tpu.enqueue_indirect_dma source(%dma_start3A_603 : memref<1000000x128xf32, #tpu.memory_space<hbm>>) target(%dma_start3A_597 : memref<72x128xf32, #tpu.memory_space<vmem>>) offsets(%dma_start3A_600 : memref<72xi32, #tpu.memory_space<vmem>>) semaphore(%arg8 : memref<!tpu.dma_semaphore, #tpu.memory_space<semaphore_mem>>)
      %dma_wait3A_604 = arith.constant 2 : i32
      %dma_wait3A_605 = arith.constant 0 : i32
      %dma_wait3A_606 = arith.constant 0 : i32
      %dma_wait3A_607 = tpu.memref_slice %arg6[%dma_wait3A_604, %dma_wait3A_605, %dma_wait3A_606] : memref<3x200x128xf32, #tpu.memory_space<vmem>> -> memref<1x200x128xf32, #tpu.memory_space<vmem>>
      %dma_wait3A_608 = tpu.memref_squeeze %dma_wait3A_607 : memref<1x200x128xf32, #tpu.memory_space<vmem>> -> memref<200x128xf32, #tpu.memory_space<vmem>>
      %dma_wait3A_609 = arith.constant 0 : i32
      %dma_wait3A_610 = arith.constant 0 : i32
      %dma_wait3A_611 = tpu.memref_slice %arg3[%dma_wait3A_609, %dma_wait3A_610] : memref<1000000x128xf32, #tpu.memory_space<hbm>> -> memref<200x128xf32, #tpu.memory_space<hbm>>
      %dma_wait3A_612 = arith.constant 0 : i32
      %dma_wait3A_613 = arith.constant 0 : i32
      %dma_wait3A_614 = tpu.memref_slice %arg6[%dma_wait3A_604, %dma_wait3A_612, %dma_wait3A_613] : memref<3x200x128xf32, #tpu.memory_space<vmem>> -> memref<1x200x128xf32, #tpu.memory_space<vmem>>
      %dma_wait3A_615 = tpu.memref_squeeze %dma_wait3A_614 : memref<1x200x128xf32, #tpu.memory_space<vmem>> -> memref<200x128xf32, #tpu.memory_space<vmem>>
      %dma_wait3A_616 = arith.constant 0 : i32
      %dma_wait3A_617 = arith.constant 0 : i32
      %dma_wait3A_618 = tpu.memref_slice %arg3[%dma_wait3A_616, %dma_wait3A_617] : memref<1000000x128xf32, #tpu.memory_space<hbm>> -> memref<200x128xf32, #tpu.memory_space<hbm>>
      tpu.wait_dma2 semaphore(%arg9 : memref<!tpu.dma_semaphore, #tpu.memory_space<semaphore_mem>>) src(%dma_wait3A_618 : memref<200x128xf32, #tpu.memory_space<hbm>>) dst(%dma_wait3A_615 : memref<200x128xf32, #tpu.memory_space<vmem>>)
      %mul3A_619 = arith.constant 200 : i32
      %mul3A_620 = arith.muli %add3A_564, %mul3A_619 : i32
      %add3A_621 = arith.addi %mul3A_2, %mul3A_620 : i32
      %dma_start3A_622 = arith.constant 2 : i32
      %dma_start3A_623 = arith.constant 0 : i32
      %dma_start3A_624 = arith.constant 0 : i32
      %dma_start3A_625 = tpu.memref_slice %arg6[%dma_start3A_622, %dma_start3A_623, %dma_start3A_624] : memref<3x200x128xf32, #tpu.memory_space<vmem>> -> memref<1x200x128xf32, #tpu.memory_space<vmem>>
      %dma_start3A_626 = tpu.memref_squeeze %dma_start3A_625 : memref<1x200x128xf32, #tpu.memory_space<vmem>> -> memref<200x128xf32, #tpu.memory_space<vmem>>
      %dma_start3A_627 = arith.constant 0 : i32
      %dma_start3A_628 = tpu.memref_slice %arg4[%add3A_621, %dma_start3A_627] : memref<819200x128xf32, #tpu.memory_space<hbm>> -> memref<200x128xf32, #tpu.memory_space<hbm>>
      %dma_start3A_629 = arith.constant 0 : i32
      %dma_start3A_630 = tpu.memref_slice %arg4[%add3A_621, %dma_start3A_629] : memref<819200x128xf32, #tpu.memory_space<hbm>> -> memref<200x128xf32, #tpu.memory_space<hbm>>
      %dma_start3A_631 = arith.constant 0 : i32
      %dma_start3A_632 = arith.constant 0 : i32
      %dma_start3A_633 = tpu.memref_slice %arg6[%dma_start3A_622, %dma_start3A_631, %dma_start3A_632] : memref<3x200x128xf32, #tpu.memory_space<vmem>> -> memref<1x200x128xf32, #tpu.memory_space<vmem>>
      %dma_start3A_634 = tpu.memref_squeeze %dma_start3A_633 : memref<1x200x128xf32, #tpu.memory_space<vmem>> -> memref<200x128xf32, #tpu.memory_space<vmem>>
      tpu.enqueue_dma source(%dma_start3A_634 : memref<200x128xf32, #tpu.memory_space<vmem>>) target(%dma_start3A_630 : memref<200x128xf32, #tpu.memory_space<hbm>>) target_semaphore(%arg12 : memref<!tpu.dma_semaphore, #tpu.memory_space<semaphore_mem>>)
      %add3A_635 = arith.constant 1 : i32
      %add3A_636 = arith.addi %add3A_564, %add3A_635 : i32
      %dma_wait3A_637 = arith.constant 2 : i32
      %dma_wait3A_638 = arith.constant 0 : i32
      %dma_wait3A_639 = arith.constant 0 : i32
      %dma_wait3A_640 = tpu.memref_slice %arg6[%dma_wait3A_637, %dma_wait3A_638, %dma_wait3A_639] : memref<3x200x128xf32, #tpu.memory_space<vmem>> -> memref<1x200x128xf32, #tpu.memory_space<vmem>>
      %dma_wait3A_641 = tpu.memref_squeeze %dma_wait3A_640 : memref<1x200x128xf32, #tpu.memory_space<vmem>> -> memref<200x128xf32, #tpu.memory_space<vmem>>
      %dma_wait3A_642 = arith.constant 0 : i32
      %dma_wait3A_643 = arith.constant 0 : i32
      %dma_wait3A_644 = tpu.memref_slice %arg4[%dma_wait3A_642, %dma_wait3A_643] : memref<819200x128xf32, #tpu.memory_space<hbm>> -> memref<200x128xf32, #tpu.memory_space<hbm>>
      %dma_wait3A_645 = arith.constant 0 : i32
      %dma_wait3A_646 = arith.constant 0 : i32
      %dma_wait3A_647 = tpu.memref_slice %arg4[%dma_wait3A_645, %dma_wait3A_646] : memref<819200x128xf32, #tpu.memory_space<hbm>> -> memref<200x128xf32, #tpu.memory_space<hbm>>
      %dma_wait3A_648 = arith.constant 0 : i32
      %dma_wait3A_649 = arith.constant 0 : i32
      %dma_wait3A_650 = tpu.memref_slice %arg6[%dma_wait3A_637, %dma_wait3A_648, %dma_wait3A_649] : memref<3x200x128xf32, #tpu.memory_space<vmem>> -> memref<1x200x128xf32, #tpu.memory_space<vmem>>
      %dma_wait3A_651 = tpu.memref_squeeze %dma_wait3A_650 : memref<1x200x128xf32, #tpu.memory_space<vmem>> -> memref<200x128xf32, #tpu.memory_space<vmem>>
      tpu.wait_dma2 semaphore(%arg12 : memref<!tpu.dma_semaphore, #tpu.memory_space<semaphore_mem>>) src(%dma_wait3A_651 : memref<200x128xf32, #tpu.memory_space<vmem>>) dst(%dma_wait3A_647 : memref<200x128xf32, #tpu.memory_space<hbm>>)
      %add3A_652 = arith.constant 2 : i32
      %add3A_653 = arith.addi %add3A_636, %add3A_652 : i32
      %dma_start3A_654 = arith.constant 2 : i32
      %dma_start3A_655 = arith.constant 0 : i32
      %dma_start3A_656 = arith.constant 0 : i32
      %dma_start3A_657 = tpu.memref_slice %arg6[%dma_start3A_654, %dma_start3A_655, %dma_start3A_656] : memref<3x200x128xf32, #tpu.memory_space<vmem>> -> memref<1x128x128xf32, #tpu.memory_space<vmem>>
      %dma_start3A_658 = tpu.memref_squeeze %dma_start3A_657 : memref<1x128x128xf32, #tpu.memory_space<vmem>> -> memref<128x128xf32, #tpu.memory_space<vmem>>
      %dma_start3A_659 = arith.constant 0 : i32
      %dma_start3A_660 = tpu.memref_slice %arg5[%add3A_653, %dma_start3A_659] : memref<128x200xi32, #tpu.memory_space<vmem>> -> memref<1x128xi32, #tpu.memory_space<vmem>>
      %dma_start3A_661 = tpu.memref_squeeze %dma_start3A_660 : memref<1x128xi32, #tpu.memory_space<vmem>> -> memref<128xi32, #tpu.memory_space<vmem>>
      %dma_start3A_662 = arith.constant 0 : i32
      %dma_start3A_663 = arith.constant 0 : i32
      %dma_start3A_664 = tpu.memref_slice %arg3[%dma_start3A_662, %dma_start3A_663] : memref<1000000x128xf32, #tpu.memory_space<hbm>> -> memref<1000000x128xf32, #tpu.memory_space<hbm>>
      tpu.enqueue_indirect_dma source(%dma_start3A_664 : memref<1000000x128xf32, #tpu.memory_space<hbm>>) target(%dma_start3A_658 : memref<128x128xf32, #tpu.memory_space<vmem>>) offsets(%dma_start3A_661 : memref<128xi32, #tpu.memory_space<vmem>>) semaphore(%arg9 : memref<!tpu.dma_semaphore, #tpu.memory_space<semaphore_mem>>)
      %dma_start3A_665 = arith.constant 2 : i32
      %dma_start3A_666 = arith.constant 128 : i32
      %dma_start3A_667 = arith.constant 0 : i32
      %dma_start3A_668 = tpu.memref_slice %arg6[%dma_start3A_665, %dma_start3A_666, %dma_start3A_667] : memref<3x200x128xf32, #tpu.memory_space<vmem>> -> memref<1x72x128xf32, #tpu.memory_space<vmem>>
      %dma_start3A_669 = tpu.memref_squeeze %dma_start3A_668 : memref<1x72x128xf32, #tpu.memory_space<vmem>> -> memref<72x128xf32, #tpu.memory_space<vmem>>
      %dma_start3A_670 = arith.constant 128 : i32
      %dma_start3A_671 = tpu.memref_slice %arg5[%add3A_653, %dma_start3A_670] : memref<128x200xi32, #tpu.memory_space<vmem>> -> memref<1x72xi32, #tpu.memory_space<vmem>>
      %dma_start3A_672 = tpu.memref_squeeze %dma_start3A_671 : memref<1x72xi32, #tpu.memory_space<vmem>> -> memref<72xi32, #tpu.memory_space<vmem>>
      %dma_start3A_673 = arith.constant 0 : i32
      %dma_start3A_674 = arith.constant 0 : i32
      %dma_start3A_675 = tpu.memref_slice %arg3[%dma_start3A_673, %dma_start3A_674] : memref<1000000x128xf32, #tpu.memory_space<hbm>> -> memref<1000000x128xf32, #tpu.memory_space<hbm>>
      tpu.enqueue_indirect_dma source(%dma_start3A_675 : memref<1000000x128xf32, #tpu.memory_space<hbm>>) target(%dma_start3A_669 : memref<72x128xf32, #tpu.memory_space<vmem>>) offsets(%dma_start3A_672 : memref<72xi32, #tpu.memory_space<vmem>>) semaphore(%arg9 : memref<!tpu.dma_semaphore, #tpu.memory_space<semaphore_mem>>)
      %dma_wait3A_676 = arith.constant 0 : i32
      %dma_wait3A_677 = arith.constant 0 : i32
      %dma_wait3A_678 = arith.constant 0 : i32
      %dma_wait3A_679 = tpu.memref_slice %arg6[%dma_wait3A_676, %dma_wait3A_677, %dma_wait3A_678] : memref<3x200x128xf32, #tpu.memory_space<vmem>> -> memref<1x200x128xf32, #tpu.memory_space<vmem>>
      %dma_wait3A_680 = tpu.memref_squeeze %dma_wait3A_679 : memref<1x200x128xf32, #tpu.memory_space<vmem>> -> memref<200x128xf32, #tpu.memory_space<vmem>>
      %dma_wait3A_681 = arith.constant 0 : i32
      %dma_wait3A_682 = arith.constant 0 : i32
      %dma_wait3A_683 = tpu.memref_slice %arg3[%dma_wait3A_681, %dma_wait3A_682] : memref<1000000x128xf32, #tpu.memory_space<hbm>> -> memref<200x128xf32, #tpu.memory_space<hbm>>
      %dma_wait3A_684 = arith.constant 0 : i32
      %dma_wait3A_685 = arith.constant 0 : i32
      %dma_wait3A_686 = tpu.memref_slice %arg6[%dma_wait3A_676, %dma_wait3A_684, %dma_wait3A_685] : memref<3x200x128xf32, #tpu.memory_space<vmem>> -> memref<1x200x128xf32, #tpu.memory_space<vmem>>
      %dma_wait3A_687 = tpu.memref_squeeze %dma_wait3A_686 : memref<1x200x128xf32, #tpu.memory_space<vmem>> -> memref<200x128xf32, #tpu.memory_space<vmem>>
      %dma_wait3A_688 = arith.constant 0 : i32
      %dma_wait3A_689 = arith.constant 0 : i32
      %dma_wait3A_690 = tpu.memref_slice %arg3[%dma_wait3A_688, %dma_wait3A_689] : memref<1000000x128xf32, #tpu.memory_space<hbm>> -> memref<200x128xf32, #tpu.memory_space<hbm>>
      tpu.wait_dma2 semaphore(%arg7 : memref<!tpu.dma_semaphore, #tpu.memory_space<semaphore_mem>>) src(%dma_wait3A_690 : memref<200x128xf32, #tpu.memory_space<hbm>>) dst(%dma_wait3A_687 : memref<200x128xf32, #tpu.memory_space<vmem>>)
      %mul3A_691 = arith.constant 200 : i32
      %mul3A_692 = arith.muli %add3A_636, %mul3A_691 : i32
      %add3A_693 = arith.addi %mul3A_2, %mul3A_692 : i32
      %dma_start3A_694 = arith.constant 0 : i32
      %dma_start3A_695 = arith.constant 0 : i32
      %dma_start3A_696 = arith.constant 0 : i32
      %dma_start3A_697 = tpu.memref_slice %arg6[%dma_start3A_694, %dma_start3A_695, %dma_start3A_696] : memref<3x200x128xf32, #tpu.memory_space<vmem>> -> memref<1x200x128xf32, #tpu.memory_space<vmem>>
      %dma_start3A_698 = tpu.memref_squeeze %dma_start3A_697 : memref<1x200x128xf32, #tpu.memory_space<vmem>> -> memref<200x128xf32, #tpu.memory_space<vmem>>
      %dma_start3A_699 = arith.constant 0 : i32
      %dma_start3A_700 = tpu.memref_slice %arg4[%add3A_693, %dma_start3A_699] : memref<819200x128xf32, #tpu.memory_space<hbm>> -> memref<200x128xf32, #tpu.memory_space<hbm>>
      %dma_start3A_701 = arith.constant 0 : i32
      %dma_start3A_702 = tpu.memref_slice %arg4[%add3A_693, %dma_start3A_701] : memref<819200x128xf32, #tpu.memory_space<hbm>> -> memref<200x128xf32, #tpu.memory_space<hbm>>
      %dma_start3A_703 = arith.constant 0 : i32
      %dma_start3A_704 = arith.constant 0 : i32
      %dma_start3A_705 = tpu.memref_slice %arg6[%dma_start3A_694, %dma_start3A_703, %dma_start3A_704] : memref<3x200x128xf32, #tpu.memory_space<vmem>> -> memref<1x200x128xf32, #tpu.memory_space<vmem>>
      %dma_start3A_706 = tpu.memref_squeeze %dma_start3A_705 : memref<1x200x128xf32, #tpu.memory_space<vmem>> -> memref<200x128xf32, #tpu.memory_space<vmem>>
      tpu.enqueue_dma source(%dma_start3A_706 : memref<200x128xf32, #tpu.memory_space<vmem>>) target(%dma_start3A_702 : memref<200x128xf32, #tpu.memory_space<hbm>>) target_semaphore(%arg10 : memref<!tpu.dma_semaphore, #tpu.memory_space<semaphore_mem>>)
      %add3A_707 = arith.constant 2 : i32
      %add3A_708 = arith.addi %add3A_564, %add3A_707 : i32
      %dma_wait3A_709 = arith.constant 0 : i32
      %dma_wait3A_710 = arith.constant 0 : i32
      %dma_wait3A_711 = arith.constant 0 : i32
      %dma_wait3A_712 = tpu.memref_slice %arg6[%dma_wait3A_709, %dma_wait3A_710, %dma_wait3A_711] : memref<3x200x128xf32, #tpu.memory_space<vmem>> -> memref<1x200x128xf32, #tpu.memory_space<vmem>>
      %dma_wait3A_713 = tpu.memref_squeeze %dma_wait3A_712 : memref<1x200x128xf32, #tpu.memory_space<vmem>> -> memref<200x128xf32, #tpu.memory_space<vmem>>
      %dma_wait3A_714 = arith.constant 0 : i32
      %dma_wait3A_715 = arith.constant 0 : i32
      %dma_wait3A_716 = tpu.memref_slice %arg4[%dma_wait3A_714, %dma_wait3A_715] : memref<819200x128xf32, #tpu.memory_space<hbm>> -> memref<200x128xf32, #tpu.memory_space<hbm>>
      %dma_wait3A_717 = arith.constant 0 : i32
      %dma_wait3A_718 = arith.constant 0 : i32
      %dma_wait3A_719 = tpu.memref_slice %arg4[%dma_wait3A_717, %dma_wait3A_718] : memref<819200x128xf32, #tpu.memory_space<hbm>> -> memref<200x128xf32, #tpu.memory_space<hbm>>
      %dma_wait3A_720 = arith.constant 0 : i32
      %dma_wait3A_721 = arith.constant 0 : i32
      %dma_wait3A_722 = tpu.memref_slice %arg6[%dma_wait3A_709, %dma_wait3A_720, %dma_wait3A_721] : memref<3x200x128xf32, #tpu.memory_space<vmem>> -> memref<1x200x128xf32, #tpu.memory_space<vmem>>
      %dma_wait3A_723 = tpu.memref_squeeze %dma_wait3A_722 : memref<1x200x128xf32, #tpu.memory_space<vmem>> -> memref<200x128xf32, #tpu.memory_space<vmem>>
      tpu.wait_dma2 semaphore(%arg10 : memref<!tpu.dma_semaphore, #tpu.memory_space<semaphore_mem>>) src(%dma_wait3A_723 : memref<200x128xf32, #tpu.memory_space<vmem>>) dst(%dma_wait3A_719 : memref<200x128xf32, #tpu.memory_space<hbm>>)
      %add3A_724 = arith.constant 2 : i32
      %add3A_725 = arith.addi %add3A_708, %add3A_724 : i32
      %dma_start3A_726 = arith.constant 0 : i32
      %dma_start3A_727 = arith.constant 0 : i32
      %dma_start3A_728 = arith.constant 0 : i32
      %dma_start3A_729 = tpu.memref_slice %arg6[%dma_start3A_726, %dma_start3A_727, %dma_start3A_728] : memref<3x200x128xf32, #tpu.memory_space<vmem>> -> memref<1x128x128xf32, #tpu.memory_space<vmem>>
      %dma_start3A_730 = tpu.memref_squeeze %dma_start3A_729 : memref<1x128x128xf32, #tpu.memory_space<vmem>> -> memref<128x128xf32, #tpu.memory_space<vmem>>
      %dma_start3A_731 = arith.constant 0 : i32
      %dma_start3A_732 = tpu.memref_slice %arg5[%add3A_725, %dma_start3A_731] : memref<128x200xi32, #tpu.memory_space<vmem>> -> memref<1x128xi32, #tpu.memory_space<vmem>>
      %dma_start3A_733 = tpu.memref_squeeze %dma_start3A_732 : memref<1x128xi32, #tpu.memory_space<vmem>> -> memref<128xi32, #tpu.memory_space<vmem>>
      %dma_start3A_734 = arith.constant 0 : i32
      %dma_start3A_735 = arith.constant 0 : i32
      %dma_start3A_736 = tpu.memref_slice %arg3[%dma_start3A_734, %dma_start3A_735] : memref<1000000x128xf32, #tpu.memory_space<hbm>> -> memref<1000000x128xf32, #tpu.memory_space<hbm>>
      tpu.enqueue_indirect_dma source(%dma_start3A_736 : memref<1000000x128xf32, #tpu.memory_space<hbm>>) target(%dma_start3A_730 : memref<128x128xf32, #tpu.memory_space<vmem>>) offsets(%dma_start3A_733 : memref<128xi32, #tpu.memory_space<vmem>>) semaphore(%arg7 : memref<!tpu.dma_semaphore, #tpu.memory_space<semaphore_mem>>)
      %dma_start3A_737 = arith.constant 0 : i32
      %dma_start3A_738 = arith.constant 128 : i32
      %dma_start3A_739 = arith.constant 0 : i32
      %dma_start3A_740 = tpu.memref_slice %arg6[%dma_start3A_737, %dma_start3A_738, %dma_start3A_739] : memref<3x200x128xf32, #tpu.memory_space<vmem>> -> memref<1x72x128xf32, #tpu.memory_space<vmem>>
      %dma_start3A_741 = tpu.memref_squeeze %dma_start3A_740 : memref<1x72x128xf32, #tpu.memory_space<vmem>> -> memref<72x128xf32, #tpu.memory_space<vmem>>
      %dma_start3A_742 = arith.constant 128 : i32
      %dma_start3A_743 = tpu.memref_slice %arg5[%add3A_725, %dma_start3A_742] : memref<128x200xi32, #tpu.memory_space<vmem>> -> memref<1x72xi32, #tpu.memory_space<vmem>>
      %dma_start3A_744 = tpu.memref_squeeze %dma_start3A_743 : memref<1x72xi32, #tpu.memory_space<vmem>> -> memref<72xi32, #tpu.memory_space<vmem>>
      %dma_start3A_745 = arith.constant 0 : i32
      %dma_start3A_746 = arith.constant 0 : i32
      %dma_start3A_747 = tpu.memref_slice %arg3[%dma_start3A_745, %dma_start3A_746] : memref<1000000x128xf32, #tpu.memory_space<hbm>> -> memref<1000000x128xf32, #tpu.memory_space<hbm>>
      tpu.enqueue_indirect_dma source(%dma_start3A_747 : memref<1000000x128xf32, #tpu.memory_space<hbm>>) target(%dma_start3A_741 : memref<72x128xf32, #tpu.memory_space<vmem>>) offsets(%dma_start3A_744 : memref<72xi32, #tpu.memory_space<vmem>>) semaphore(%arg7 : memref<!tpu.dma_semaphore, #tpu.memory_space<semaphore_mem>>)
      %dma_wait3A_748 = arith.constant 1 : i32
      %dma_wait3A_749 = arith.constant 0 : i32
      %dma_wait3A_750 = arith.constant 0 : i32
      %dma_wait3A_751 = tpu.memref_slice %arg6[%dma_wait3A_748, %dma_wait3A_749, %dma_wait3A_750] : memref<3x200x128xf32, #tpu.memory_space<vmem>> -> memref<1x200x128xf32, #tpu.memory_space<vmem>>
      %dma_wait3A_752 = tpu.memref_squeeze %dma_wait3A_751 : memref<1x200x128xf32, #tpu.memory_space<vmem>> -> memref<200x128xf32, #tpu.memory_space<vmem>>
      %dma_wait3A_753 = arith.constant 0 : i32
      %dma_wait3A_754 = arith.constant 0 : i32
      %dma_wait3A_755 = tpu.memref_slice %arg3[%dma_wait3A_753, %dma_wait3A_754] : memref<1000000x128xf32, #tpu.memory_space<hbm>> -> memref<200x128xf32, #tpu.memory_space<hbm>>
      %dma_wait3A_756 = arith.constant 0 : i32
      %dma_wait3A_757 = arith.constant 0 : i32
      %dma_wait3A_758 = tpu.memref_slice %arg6[%dma_wait3A_748, %dma_wait3A_756, %dma_wait3A_757] : memref<3x200x128xf32, #tpu.memory_space<vmem>> -> memref<1x200x128xf32, #tpu.memory_space<vmem>>
      %dma_wait3A_759 = tpu.memref_squeeze %dma_wait3A_758 : memref<1x200x128xf32, #tpu.memory_space<vmem>> -> memref<200x128xf32, #tpu.memory_space<vmem>>
      %dma_wait3A_760 = arith.constant 0 : i32
      %dma_wait3A_761 = arith.constant 0 : i32
      %dma_wait3A_762 = tpu.memref_slice %arg3[%dma_wait3A_760, %dma_wait3A_761] : memref<1000000x128xf32, #tpu.memory_space<hbm>> -> memref<200x128xf32, #tpu.memory_space<hbm>>
      tpu.wait_dma2 semaphore(%arg8 : memref<!tpu.dma_semaphore, #tpu.memory_space<semaphore_mem>>) src(%dma_wait3A_762 : memref<200x128xf32, #tpu.memory_space<hbm>>) dst(%dma_wait3A_759 : memref<200x128xf32, #tpu.memory_space<vmem>>)
      %mul3A_763 = arith.constant 200 : i32
      %mul3A_764 = arith.muli %add3A_708, %mul3A_763 : i32
      %add3A_765 = arith.addi %mul3A_2, %mul3A_764 : i32
      %dma_start3A_766 = arith.constant 1 : i32
      %dma_start3A_767 = arith.constant 0 : i32
      %dma_start3A_768 = arith.constant 0 : i32
      %dma_start3A_769 = tpu.memref_slice %arg6[%dma_start3A_766, %dma_start3A_767, %dma_start3A_768] : memref<3x200x128xf32, #tpu.memory_space<vmem>> -> memref<1x200x128xf32, #tpu.memory_space<vmem>>
      %dma_start3A_770 = tpu.memref_squeeze %dma_start3A_769 : memref<1x200x128xf32, #tpu.memory_space<vmem>> -> memref<200x128xf32, #tpu.memory_space<vmem>>
      %dma_start3A_771 = arith.constant 0 : i32
      %dma_start3A_772 = tpu.memref_slice %arg4[%add3A_765, %dma_start3A_771] : memref<819200x128xf32, #tpu.memory_space<hbm>> -> memref<200x128xf32, #tpu.memory_space<hbm>>
      %dma_start3A_773 = arith.constant 0 : i32
      %dma_start3A_774 = tpu.memref_slice %arg4[%add3A_765, %dma_start3A_773] : memref<819200x128xf32, #tpu.memory_space<hbm>> -> memref<200x128xf32, #tpu.memory_space<hbm>>
      %dma_start3A_775 = arith.constant 0 : i32
      %dma_start3A_776 = arith.constant 0 : i32
      %dma_start3A_777 = tpu.memref_slice %arg6[%dma_start3A_766, %dma_start3A_775, %dma_start3A_776] : memref<3x200x128xf32, #tpu.memory_space<vmem>> -> memref<1x200x128xf32, #tpu.memory_space<vmem>>
      %dma_start3A_778 = tpu.memref_squeeze %dma_start3A_777 : memref<1x200x128xf32, #tpu.memory_space<vmem>> -> memref<200x128xf32, #tpu.memory_space<vmem>>
      tpu.enqueue_dma source(%dma_start3A_778 : memref<200x128xf32, #tpu.memory_space<vmem>>) target(%dma_start3A_774 : memref<200x128xf32, #tpu.memory_space<hbm>>) target_semaphore(%arg11 : memref<!tpu.dma_semaphore, #tpu.memory_space<semaphore_mem>>)
    }
    %scan3A_178 = arith.constant 40 : i32
    %dma_wait3A_179 = arith.constant 1 : i32
    %dma_wait3A_180 = arith.constant 0 : i32
    %dma_wait3A_181 = arith.constant 0 : i32
    %dma_wait3A_182 = tpu.memref_slice %arg6[%dma_wait3A_179, %dma_wait3A_180, %dma_wait3A_181] : memref<3x200x128xf32, #tpu.memory_space<vmem>> -> memref<1x200x128xf32, #tpu.memory_space<vmem>>
    %dma_wait3A_183 = tpu.memref_squeeze %dma_wait3A_182 : memref<1x200x128xf32, #tpu.memory_space<vmem>> -> memref<200x128xf32, #tpu.memory_space<vmem>>
    %dma_wait3A_184 = arith.constant 0 : i32
    %dma_wait3A_185 = arith.constant 0 : i32
    %dma_wait3A_186 = tpu.memref_slice %arg4[%dma_wait3A_184, %dma_wait3A_185] : memref<819200x128xf32, #tpu.memory_space<hbm>> -> memref<200x128xf32, #tpu.memory_space<hbm>>
    %dma_wait3A_187 = arith.constant 0 : i32
    %dma_wait3A_188 = arith.constant 0 : i32
    %dma_wait3A_189 = tpu.memref_slice %arg4[%dma_wait3A_187, %dma_wait3A_188] : memref<819200x128xf32, #tpu.memory_space<hbm>> -> memref<200x128xf32, #tpu.memory_space<hbm>>
    %dma_wait3A_190 = arith.constant 0 : i32
    %dma_wait3A_191 = arith.constant 0 : i32
    %dma_wait3A_192 = tpu.memref_slice %arg6[%dma_wait3A_179, %dma_wait3A_190, %dma_wait3A_191] : memref<3x200x128xf32, #tpu.memory_space<vmem>> -> memref<1x200x128xf32, #tpu.memory_space<vmem>>
    %dma_wait3A_193 = tpu.memref_squeeze %dma_wait3A_192 : memref<1x200x128xf32, #tpu.memory_space<vmem>> -> memref<200x128xf32, #tpu.memory_space<vmem>>
    tpu.wait_dma2 semaphore(%arg11 : memref<!tpu.dma_semaphore, #tpu.memory_space<semaphore_mem>>) src(%dma_wait3A_193 : memref<200x128xf32, #tpu.memory_space<vmem>>) dst(%dma_wait3A_189 : memref<200x128xf32, #tpu.memory_space<hbm>>)
    %dma_start3A_194 = arith.constant 124 : i32
    %dma_start3A_195 = arith.constant 1 : i32
    %dma_start3A_196 = arith.constant 0 : i32
    %dma_start3A_197 = arith.constant 0 : i32
    %dma_start3A_198 = tpu.memref_slice %arg6[%dma_start3A_195, %dma_start3A_196, %dma_start3A_197] : memref<3x200x128xf32, #tpu.memory_space<vmem>> -> memref<1x128x128xf32, #tpu.memory_space<vmem>>
    %dma_start3A_199 = tpu.memref_squeeze %dma_start3A_198 : memref<1x128x128xf32, #tpu.memory_space<vmem>> -> memref<128x128xf32, #tpu.memory_space<vmem>>
    %dma_start3A_200 = arith.constant 0 : i32
    %dma_start3A_201 = tpu.memref_slice %arg5[%dma_start3A_194, %dma_start3A_200] : memref<128x200xi32, #tpu.memory_space<vmem>> -> memref<1x128xi32, #tpu.memory_space<vmem>>
    %dma_start3A_202 = tpu.memref_squeeze %dma_start3A_201 : memref<1x128xi32, #tpu.memory_space<vmem>> -> memref<128xi32, #tpu.memory_space<vmem>>
    %dma_start3A_203 = arith.constant 0 : i32
    %dma_start3A_204 = arith.constant 0 : i32
    %dma_start3A_205 = tpu.memref_slice %arg3[%dma_start3A_203, %dma_start3A_204] : memref<1000000x128xf32, #tpu.memory_space<hbm>> -> memref<1000000x128xf32, #tpu.memory_space<hbm>>
    tpu.enqueue_indirect_dma source(%dma_start3A_205 : memref<1000000x128xf32, #tpu.memory_space<hbm>>) target(%dma_start3A_199 : memref<128x128xf32, #tpu.memory_space<vmem>>) offsets(%dma_start3A_202 : memref<128xi32, #tpu.memory_space<vmem>>) semaphore(%arg8 : memref<!tpu.dma_semaphore, #tpu.memory_space<semaphore_mem>>)
    %dma_start3A_206 = arith.constant 124 : i32
    %dma_start3A_207 = arith.constant 1 : i32
    %dma_start3A_208 = arith.constant 128 : i32
    %dma_start3A_209 = arith.constant 0 : i32
    %dma_start3A_210 = tpu.memref_slice %arg6[%dma_start3A_207, %dma_start3A_208, %dma_start3A_209] : memref<3x200x128xf32, #tpu.memory_space<vmem>> -> memref<1x72x128xf32, #tpu.memory_space<vmem>>
    %dma_start3A_211 = tpu.memref_squeeze %dma_start3A_210 : memref<1x72x128xf32, #tpu.memory_space<vmem>> -> memref<72x128xf32, #tpu.memory_space<vmem>>
    %dma_start3A_212 = arith.constant 128 : i32
    %dma_start3A_213 = tpu.memref_slice %arg5[%dma_start3A_206, %dma_start3A_212] : memref<128x200xi32, #tpu.memory_space<vmem>> -> memref<1x72xi32, #tpu.memory_space<vmem>>
    %dma_start3A_214 = tpu.memref_squeeze %dma_start3A_213 : memref<1x72xi32, #tpu.memory_space<vmem>> -> memref<72xi32, #tpu.memory_space<vmem>>
    %dma_start3A_215 = arith.constant 0 : i32
    %dma_start3A_216 = arith.constant 0 : i32
    %dma_start3A_217 = tpu.memref_slice %arg3[%dma_start3A_215, %dma_start3A_216] : memref<1000000x128xf32, #tpu.memory_space<hbm>> -> memref<1000000x128xf32, #tpu.memory_space<hbm>>
    tpu.enqueue_indirect_dma source(%dma_start3A_217 : memref<1000000x128xf32, #tpu.memory_space<hbm>>) target(%dma_start3A_211 : memref<72x128xf32, #tpu.memory_space<vmem>>) offsets(%dma_start3A_214 : memref<72xi32, #tpu.memory_space<vmem>>) semaphore(%arg8 : memref<!tpu.dma_semaphore, #tpu.memory_space<semaphore_mem>>)
    %dma_wait3A_218 = arith.constant 2 : i32
    %dma_wait3A_219 = arith.constant 0 : i32
    %dma_wait3A_220 = arith.constant 0 : i32
    %dma_wait3A_221 = tpu.memref_slice %arg6[%dma_wait3A_218, %dma_wait3A_219, %dma_wait3A_220] : memref<3x200x128xf32, #tpu.memory_space<vmem>> -> memref<1x200x128xf32, #tpu.memory_space<vmem>>
    %dma_wait3A_222 = tpu.memref_squeeze %dma_wait3A_221 : memref<1x200x128xf32, #tpu.memory_space<vmem>> -> memref<200x128xf32, #tpu.memory_space<vmem>>
    %dma_wait3A_223 = arith.constant 0 : i32
    %dma_wait3A_224 = arith.constant 0 : i32
    %dma_wait3A_225 = tpu.memref_slice %arg3[%dma_wait3A_223, %dma_wait3A_224] : memref<1000000x128xf32, #tpu.memory_space<hbm>> -> memref<200x128xf32, #tpu.memory_space<hbm>>
    %dma_wait3A_226 = arith.constant 0 : i32
    %dma_wait3A_227 = arith.constant 0 : i32
    %dma_wait3A_228 = tpu.memref_slice %arg6[%dma_wait3A_218, %dma_wait3A_226, %dma_wait3A_227] : memref<3x200x128xf32, #tpu.memory_space<vmem>> -> memref<1x200x128xf32, #tpu.memory_space<vmem>>
    %dma_wait3A_229 = tpu.memref_squeeze %dma_wait3A_228 : memref<1x200x128xf32, #tpu.memory_space<vmem>> -> memref<200x128xf32, #tpu.memory_space<vmem>>
    %dma_wait3A_230 = arith.constant 0 : i32
    %dma_wait3A_231 = arith.constant 0 : i32
    %dma_wait3A_232 = tpu.memref_slice %arg3[%dma_wait3A_230, %dma_wait3A_231] : memref<1000000x128xf32, #tpu.memory_space<hbm>> -> memref<200x128xf32, #tpu.memory_space<hbm>>
    tpu.wait_dma2 semaphore(%arg9 : memref<!tpu.dma_semaphore, #tpu.memory_space<semaphore_mem>>) src(%dma_wait3A_232 : memref<200x128xf32, #tpu.memory_space<hbm>>) dst(%dma_wait3A_229 : memref<200x128xf32, #tpu.memory_space<vmem>>)
    %add3A_233 = arith.constant 24400 : i32
    %add3A_234 = arith.addi %mul3A_2, %add3A_233 : i32
    %dma_start3A_235 = arith.constant 2 : i32
    %dma_start3A_236 = arith.constant 0 : i32
    %dma_start3A_237 = arith.constant 0 : i32
    %dma_start3A_238 = tpu.memref_slice %arg6[%dma_start3A_235, %dma_start3A_236, %dma_start3A_237] : memref<3x200x128xf32, #tpu.memory_space<vmem>> -> memref<1x200x128xf32, #tpu.memory_space<vmem>>
    %dma_start3A_239 = tpu.memref_squeeze %dma_start3A_238 : memref<1x200x128xf32, #tpu.memory_space<vmem>> -> memref<200x128xf32, #tpu.memory_space<vmem>>
    %dma_start3A_240 = arith.constant 0 : i32
    %dma_start3A_241 = tpu.memref_slice %arg4[%add3A_234, %dma_start3A_240] : memref<819200x128xf32, #tpu.memory_space<hbm>> -> memref<200x128xf32, #tpu.memory_space<hbm>>
    %dma_start3A_242 = arith.constant 0 : i32
    %dma_start3A_243 = tpu.memref_slice %arg4[%add3A_234, %dma_start3A_242] : memref<819200x128xf32, #tpu.memory_space<hbm>> -> memref<200x128xf32, #tpu.memory_space<hbm>>
    %dma_start3A_244 = arith.constant 0 : i32
    %dma_start3A_245 = arith.constant 0 : i32
    %dma_start3A_246 = tpu.memref_slice %arg6[%dma_start3A_235, %dma_start3A_244, %dma_start3A_245] : memref<3x200x128xf32, #tpu.memory_space<vmem>> -> memref<1x200x128xf32, #tpu.memory_space<vmem>>
    %dma_start3A_247 = tpu.memref_squeeze %dma_start3A_246 : memref<1x200x128xf32, #tpu.memory_space<vmem>> -> memref<200x128xf32, #tpu.memory_space<vmem>>
    tpu.enqueue_dma source(%dma_start3A_247 : memref<200x128xf32, #tpu.memory_space<vmem>>) target(%dma_start3A_243 : memref<200x128xf32, #tpu.memory_space<hbm>>) target_semaphore(%arg12 : memref<!tpu.dma_semaphore, #tpu.memory_space<semaphore_mem>>)
    %dma_wait3A_248 = arith.constant 2 : i32
    %dma_wait3A_249 = arith.constant 0 : i32
    %dma_wait3A_250 = arith.constant 0 : i32
    %dma_wait3A_251 = tpu.memref_slice %arg6[%dma_wait3A_248, %dma_wait3A_249, %dma_wait3A_250] : memref<3x200x128xf32, #tpu.memory_space<vmem>> -> memref<1x200x128xf32, #tpu.memory_space<vmem>>
    %dma_wait3A_252 = tpu.memref_squeeze %dma_wait3A_251 : memref<1x200x128xf32, #tpu.memory_space<vmem>> -> memref<200x128xf32, #tpu.memory_space<vmem>>
    %dma_wait3A_253 = arith.constant 0 : i32
    %dma_wait3A_254 = arith.constant 0 : i32
    %dma_wait3A_255 = tpu.memref_slice %arg4[%dma_wait3A_253, %dma_wait3A_254] : memref<819200x128xf32, #tpu.memory_space<hbm>> -> memref<200x128xf32, #tpu.memory_space<hbm>>
    %dma_wait3A_256 = arith.constant 0 : i32
    %dma_wait3A_257 = arith.constant 0 : i32
    %dma_wait3A_258 = tpu.memref_slice %arg4[%dma_wait3A_256, %dma_wait3A_257] : memref<819200x128xf32, #tpu.memory_space<hbm>> -> memref<200x128xf32, #tpu.memory_space<hbm>>
    %dma_wait3A_259 = arith.constant 0 : i32
    %dma_wait3A_260 = arith.constant 0 : i32
    %dma_wait3A_261 = tpu.memref_slice %arg6[%dma_wait3A_248, %dma_wait3A_259, %dma_wait3A_260] : memref<3x200x128xf32, #tpu.memory_space<vmem>> -> memref<1x200x128xf32, #tpu.memory_space<vmem>>
    %dma_wait3A_262 = tpu.memref_squeeze %dma_wait3A_261 : memref<1x200x128xf32, #tpu.memory_space<vmem>> -> memref<200x128xf32, #tpu.memory_space<vmem>>
    tpu.wait_dma2 semaphore(%arg12 : memref<!tpu.dma_semaphore, #tpu.memory_space<semaphore_mem>>) src(%dma_wait3A_262 : memref<200x128xf32, #tpu.memory_space<vmem>>) dst(%dma_wait3A_258 : memref<200x128xf32, #tpu.memory_space<hbm>>)
    %dma_start3A_263 = arith.constant 125 : i32
    %dma_start3A_264 = arith.constant 2 : i32
    %dma_start3A_265 = arith.constant 0 : i32
    %dma_start3A_266 = arith.constant 0 : i32
    %dma_start3A_267 = tpu.memref_slice %arg6[%dma_start3A_264, %dma_start3A_265, %dma_start3A_266] : memref<3x200x128xf32, #tpu.memory_space<vmem>> -> memref<1x128x128xf32, #tpu.memory_space<vmem>>
    %dma_start3A_268 = tpu.memref_squeeze %dma_start3A_267 : memref<1x128x128xf32, #tpu.memory_space<vmem>> -> memref<128x128xf32, #tpu.memory_space<vmem>>
    %dma_start3A_269 = arith.constant 0 : i32
    %dma_start3A_270 = tpu.memref_slice %arg5[%dma_start3A_263, %dma_start3A_269] : memref<128x200xi32, #tpu.memory_space<vmem>> -> memref<1x128xi32, #tpu.memory_space<vmem>>
    %dma_start3A_271 = tpu.memref_squeeze %dma_start3A_270 : memref<1x128xi32, #tpu.memory_space<vmem>> -> memref<128xi32, #tpu.memory_space<vmem>>
    %dma_start3A_272 = arith.constant 0 : i32
    %dma_start3A_273 = arith.constant 0 : i32
    %dma_start3A_274 = tpu.memref_slice %arg3[%dma_start3A_272, %dma_start3A_273] : memref<1000000x128xf32, #tpu.memory_space<hbm>> -> memref<1000000x128xf32, #tpu.memory_space<hbm>>
    tpu.enqueue_indirect_dma source(%dma_start3A_274 : memref<1000000x128xf32, #tpu.memory_space<hbm>>) target(%dma_start3A_268 : memref<128x128xf32, #tpu.memory_space<vmem>>) offsets(%dma_start3A_271 : memref<128xi32, #tpu.memory_space<vmem>>) semaphore(%arg9 : memref<!tpu.dma_semaphore, #tpu.memory_space<semaphore_mem>>)
    %dma_start3A_275 = arith.constant 125 : i32
    %dma_start3A_276 = arith.constant 2 : i32
    %dma_start3A_277 = arith.constant 128 : i32
    %dma_start3A_278 = arith.constant 0 : i32
    %dma_start3A_279 = tpu.memref_slice %arg6[%dma_start3A_276, %dma_start3A_277, %dma_start3A_278] : memref<3x200x128xf32, #tpu.memory_space<vmem>> -> memref<1x72x128xf32, #tpu.memory_space<vmem>>
    %dma_start3A_280 = tpu.memref_squeeze %dma_start3A_279 : memref<1x72x128xf32, #tpu.memory_space<vmem>> -> memref<72x128xf32, #tpu.memory_space<vmem>>
    %dma_start3A_281 = arith.constant 128 : i32
    %dma_start3A_282 = tpu.memref_slice %arg5[%dma_start3A_275, %dma_start3A_281] : memref<128x200xi32, #tpu.memory_space<vmem>> -> memref<1x72xi32, #tpu.memory_space<vmem>>
    %dma_start3A_283 = tpu.memref_squeeze %dma_start3A_282 : memref<1x72xi32, #tpu.memory_space<vmem>> -> memref<72xi32, #tpu.memory_space<vmem>>
    %dma_start3A_284 = arith.constant 0 : i32
    %dma_start3A_285 = arith.constant 0 : i32
    %dma_start3A_286 = tpu.memref_slice %arg3[%dma_start3A_284, %dma_start3A_285] : memref<1000000x128xf32, #tpu.memory_space<hbm>> -> memref<1000000x128xf32, #tpu.memory_space<hbm>>
    tpu.enqueue_indirect_dma source(%dma_start3A_286 : memref<1000000x128xf32, #tpu.memory_space<hbm>>) target(%dma_start3A_280 : memref<72x128xf32, #tpu.memory_space<vmem>>) offsets(%dma_start3A_283 : memref<72xi32, #tpu.memory_space<vmem>>) semaphore(%arg9 : memref<!tpu.dma_semaphore, #tpu.memory_space<semaphore_mem>>)
    %dma_wait3A_287 = arith.constant 0 : i32
    %dma_wait3A_288 = arith.constant 0 : i32
    %dma_wait3A_289 = arith.constant 0 : i32
    %dma_wait3A_290 = tpu.memref_slice %arg6[%dma_wait3A_287, %dma_wait3A_288, %dma_wait3A_289] : memref<3x200x128xf32, #tpu.memory_space<vmem>> -> memref<1x200x128xf32, #tpu.memory_space<vmem>>
    %dma_wait3A_291 = tpu.memref_squeeze %dma_wait3A_290 : memref<1x200x128xf32, #tpu.memory_space<vmem>> -> memref<200x128xf32, #tpu.memory_space<vmem>>
    %dma_wait3A_292 = arith.constant 0 : i32
    %dma_wait3A_293 = arith.constant 0 : i32
    %dma_wait3A_294 = tpu.memref_slice %arg3[%dma_wait3A_292, %dma_wait3A_293] : memref<1000000x128xf32, #tpu.memory_space<hbm>> -> memref<200x128xf32, #tpu.memory_space<hbm>>
    %dma_wait3A_295 = arith.constant 0 : i32
    %dma_wait3A_296 = arith.constant 0 : i32
    %dma_wait3A_297 = tpu.memref_slice %arg6[%dma_wait3A_287, %dma_wait3A_295, %dma_wait3A_296] : memref<3x200x128xf32, #tpu.memory_space<vmem>> -> memref<1x200x128xf32, #tpu.memory_space<vmem>>
    %dma_wait3A_298 = tpu.memref_squeeze %dma_wait3A_297 : memref<1x200x128xf32, #tpu.memory_space<vmem>> -> memref<200x128xf32, #tpu.memory_space<vmem>>
    %dma_wait3A_299 = arith.constant 0 : i32
    %dma_wait3A_300 = arith.constant 0 : i32
    %dma_wait3A_301 = tpu.memref_slice %arg3[%dma_wait3A_299, %dma_wait3A_300] : memref<1000000x128xf32, #tpu.memory_space<hbm>> -> memref<200x128xf32, #tpu.memory_space<hbm>>
    tpu.wait_dma2 semaphore(%arg7 : memref<!tpu.dma_semaphore, #tpu.memory_space<semaphore_mem>>) src(%dma_wait3A_301 : memref<200x128xf32, #tpu.memory_space<hbm>>) dst(%dma_wait3A_298 : memref<200x128xf32, #tpu.memory_space<vmem>>)
    %add3A_302 = arith.constant 24600 : i32
    %add3A_303 = arith.addi %mul3A_2, %add3A_302 : i32
    %dma_start3A_304 = arith.constant 0 : i32
    %dma_start3A_305 = arith.constant 0 : i32
    %dma_start3A_306 = arith.constant 0 : i32
    %dma_start3A_307 = tpu.memref_slice %arg6[%dma_start3A_304, %dma_start3A_305, %dma_start3A_306] : memref<3x200x128xf32, #tpu.memory_space<vmem>> -> memref<1x200x128xf32, #tpu.memory_space<vmem>>
    %dma_start3A_308 = tpu.memref_squeeze %dma_start3A_307 : memref<1x200x128xf32, #tpu.memory_space<vmem>> -> memref<200x128xf32, #tpu.memory_space<vmem>>
    %dma_start3A_309 = arith.constant 0 : i32
    %dma_start3A_310 = tpu.memref_slice %arg4[%add3A_303, %dma_start3A_309] : memref<819200x128xf32, #tpu.memory_space<hbm>> -> memref<200x128xf32, #tpu.memory_space<hbm>>
    %dma_start3A_311 = arith.constant 0 : i32
    %dma_start3A_312 = tpu.memref_slice %arg4[%add3A_303, %dma_start3A_311] : memref<819200x128xf32, #tpu.memory_space<hbm>> -> memref<200x128xf32, #tpu.memory_space<hbm>>
    %dma_start3A_313 = arith.constant 0 : i32
    %dma_start3A_314 = arith.constant 0 : i32
    %dma_start3A_315 = tpu.memref_slice %arg6[%dma_start3A_304, %dma_start3A_313, %dma_start3A_314] : memref<3x200x128xf32, #tpu.memory_space<vmem>> -> memref<1x200x128xf32, #tpu.memory_space<vmem>>
    %dma_start3A_316 = tpu.memref_squeeze %dma_start3A_315 : memref<1x200x128xf32, #tpu.memory_space<vmem>> -> memref<200x128xf32, #tpu.memory_space<vmem>>
    tpu.enqueue_dma source(%dma_start3A_316 : memref<200x128xf32, #tpu.memory_space<vmem>>) target(%dma_start3A_312 : memref<200x128xf32, #tpu.memory_space<hbm>>) target_semaphore(%arg10 : memref<!tpu.dma_semaphore, #tpu.memory_space<semaphore_mem>>)
    %dma_wait3A_317 = arith.constant 0 : i32
    %dma_wait3A_318 = arith.constant 0 : i32
    %dma_wait3A_319 = arith.constant 0 : i32
    %dma_wait3A_320 = tpu.memref_slice %arg6[%dma_wait3A_317, %dma_wait3A_318, %dma_wait3A_319] : memref<3x200x128xf32, #tpu.memory_space<vmem>> -> memref<1x200x128xf32, #tpu.memory_space<vmem>>
    %dma_wait3A_321 = tpu.memref_squeeze %dma_wait3A_320 : memref<1x200x128xf32, #tpu.memory_space<vmem>> -> memref<200x128xf32, #tpu.memory_space<vmem>>
    %dma_wait3A_322 = arith.constant 0 : i32
    %dma_wait3A_323 = arith.constant 0 : i32
    %dma_wait3A_324 = tpu.memref_slice %arg4[%dma_wait3A_322, %dma_wait3A_323] : memref<819200x128xf32, #tpu.memory_space<hbm>> -> memref<200x128xf32, #tpu.memory_space<hbm>>
    %dma_wait3A_325 = arith.constant 0 : i32
    %dma_wait3A_326 = arith.constant 0 : i32
    %dma_wait3A_327 = tpu.memref_slice %arg4[%dma_wait3A_325, %dma_wait3A_326] : memref<819200x128xf32, #tpu.memory_space<hbm>> -> memref<200x128xf32, #tpu.memory_space<hbm>>
    %dma_wait3A_328 = arith.constant 0 : i32
    %dma_wait3A_329 = arith.constant 0 : i32
    %dma_wait3A_330 = tpu.memref_slice %arg6[%dma_wait3A_317, %dma_wait3A_328, %dma_wait3A_329] : memref<3x200x128xf32, #tpu.memory_space<vmem>> -> memref<1x200x128xf32, #tpu.memory_space<vmem>>
    %dma_wait3A_331 = tpu.memref_squeeze %dma_wait3A_330 : memref<1x200x128xf32, #tpu.memory_space<vmem>> -> memref<200x128xf32, #tpu.memory_space<vmem>>
    tpu.wait_dma2 semaphore(%arg10 : memref<!tpu.dma_semaphore, #tpu.memory_space<semaphore_mem>>) src(%dma_wait3A_331 : memref<200x128xf32, #tpu.memory_space<vmem>>) dst(%dma_wait3A_327 : memref<200x128xf32, #tpu.memory_space<hbm>>)
    %dma_start3A_332 = arith.constant 126 : i32
    %dma_start3A_333 = arith.constant 0 : i32
    %dma_start3A_334 = arith.constant 0 : i32
    %dma_start3A_335 = arith.constant 0 : i32
    %dma_start3A_336 = tpu.memref_slice %arg6[%dma_start3A_333, %dma_start3A_334, %dma_start3A_335] : memref<3x200x128xf32, #tpu.memory_space<vmem>> -> memref<1x128x128xf32, #tpu.memory_space<vmem>>
    %dma_start3A_337 = tpu.memref_squeeze %dma_start3A_336 : memref<1x128x128xf32, #tpu.memory_space<vmem>> -> memref<128x128xf32, #tpu.memory_space<vmem>>
    %dma_start3A_338 = arith.constant 0 : i32
    %dma_start3A_339 = tpu.memref_slice %arg5[%dma_start3A_332, %dma_start3A_338] : memref<128x200xi32, #tpu.memory_space<vmem>> -> memref<1x128xi32, #tpu.memory_space<vmem>>
    %dma_start3A_340 = tpu.memref_squeeze %dma_start3A_339 : memref<1x128xi32, #tpu.memory_space<vmem>> -> memref<128xi32, #tpu.memory_space<vmem>>
    %dma_start3A_341 = arith.constant 0 : i32
    %dma_start3A_342 = arith.constant 0 : i32
    %dma_start3A_343 = tpu.memref_slice %arg3[%dma_start3A_341, %dma_start3A_342] : memref<1000000x128xf32, #tpu.memory_space<hbm>> -> memref<1000000x128xf32, #tpu.memory_space<hbm>>
    tpu.enqueue_indirect_dma source(%dma_start3A_343 : memref<1000000x128xf32, #tpu.memory_space<hbm>>) target(%dma_start3A_337 : memref<128x128xf32, #tpu.memory_space<vmem>>) offsets(%dma_start3A_340 : memref<128xi32, #tpu.memory_space<vmem>>) semaphore(%arg7 : memref<!tpu.dma_semaphore, #tpu.memory_space<semaphore_mem>>)
    %dma_start3A_344 = arith.constant 126 : i32
    %dma_start3A_345 = arith.constant 0 : i32
    %dma_start3A_346 = arith.constant 128 : i32
    %dma_start3A_347 = arith.constant 0 : i32
    %dma_start3A_348 = tpu.memref_slice %arg6[%dma_start3A_345, %dma_start3A_346, %dma_start3A_347] : memref<3x200x128xf32, #tpu.memory_space<vmem>> -> memref<1x72x128xf32, #tpu.memory_space<vmem>>
    %dma_start3A_349 = tpu.memref_squeeze %dma_start3A_348 : memref<1x72x128xf32, #tpu.memory_space<vmem>> -> memref<72x128xf32, #tpu.memory_space<vmem>>
    %dma_start3A_350 = arith.constant 128 : i32
    %dma_start3A_351 = tpu.memref_slice %arg5[%dma_start3A_344, %dma_start3A_350] : memref<128x200xi32, #tpu.memory_space<vmem>> -> memref<1x72xi32, #tpu.memory_space<vmem>>
    %dma_start3A_352 = tpu.memref_squeeze %dma_start3A_351 : memref<1x72xi32, #tpu.memory_space<vmem>> -> memref<72xi32, #tpu.memory_space<vmem>>
    %dma_start3A_353 = arith.constant 0 : i32
    %dma_start3A_354 = arith.constant 0 : i32
    %dma_start3A_355 = tpu.memref_slice %arg3[%dma_start3A_353, %dma_start3A_354] : memref<1000000x128xf32, #tpu.memory_space<hbm>> -> memref<1000000x128xf32, #tpu.memory_space<hbm>>
    tpu.enqueue_indirect_dma source(%dma_start3A_355 : memref<1000000x128xf32, #tpu.memory_space<hbm>>) target(%dma_start3A_349 : memref<72x128xf32, #tpu.memory_space<vmem>>) offsets(%dma_start3A_352 : memref<72xi32, #tpu.memory_space<vmem>>) semaphore(%arg7 : memref<!tpu.dma_semaphore, #tpu.memory_space<semaphore_mem>>)
    %dma_wait3A_356 = arith.constant 1 : i32
    %dma_wait3A_357 = arith.constant 0 : i32
    %dma_wait3A_358 = arith.constant 0 : i32
    %dma_wait3A_359 = tpu.memref_slice %arg6[%dma_wait3A_356, %dma_wait3A_357, %dma_wait3A_358] : memref<3x200x128xf32, #tpu.memory_space<vmem>> -> memref<1x200x128xf32, #tpu.memory_space<vmem>>
    %dma_wait3A_360 = tpu.memref_squeeze %dma_wait3A_359 : memref<1x200x128xf32, #tpu.memory_space<vmem>> -> memref<200x128xf32, #tpu.memory_space<vmem>>
    %dma_wait3A_361 = arith.constant 0 : i32
    %dma_wait3A_362 = arith.constant 0 : i32
    %dma_wait3A_363 = tpu.memref_slice %arg3[%dma_wait3A_361, %dma_wait3A_362] : memref<1000000x128xf32, #tpu.memory_space<hbm>> -> memref<200x128xf32, #tpu.memory_space<hbm>>
    %dma_wait3A_364 = arith.constant 0 : i32
    %dma_wait3A_365 = arith.constant 0 : i32
    %dma_wait3A_366 = tpu.memref_slice %arg6[%dma_wait3A_356, %dma_wait3A_364, %dma_wait3A_365] : memref<3x200x128xf32, #tpu.memory_space<vmem>> -> memref<1x200x128xf32, #tpu.memory_space<vmem>>
    %dma_wait3A_367 = tpu.memref_squeeze %dma_wait3A_366 : memref<1x200x128xf32, #tpu.memory_space<vmem>> -> memref<200x128xf32, #tpu.memory_space<vmem>>
    %dma_wait3A_368 = arith.constant 0 : i32
    %dma_wait3A_369 = arith.constant 0 : i32
    %dma_wait3A_370 = tpu.memref_slice %arg3[%dma_wait3A_368, %dma_wait3A_369] : memref<1000000x128xf32, #tpu.memory_space<hbm>> -> memref<200x128xf32, #tpu.memory_space<hbm>>
    tpu.wait_dma2 semaphore(%arg8 : memref<!tpu.dma_semaphore, #tpu.memory_space<semaphore_mem>>) src(%dma_wait3A_370 : memref<200x128xf32, #tpu.memory_space<hbm>>) dst(%dma_wait3A_367 : memref<200x128xf32, #tpu.memory_space<vmem>>)
    %add3A_371 = arith.constant 24800 : i32
    %add3A_372 = arith.addi %mul3A_2, %add3A_371 : i32
    %dma_start3A_373 = arith.constant 1 : i32
    %dma_start3A_374 = arith.constant 0 : i32
    %dma_start3A_375 = arith.constant 0 : i32
    %dma_start3A_376 = tpu.memref_slice %arg6[%dma_start3A_373, %dma_start3A_374, %dma_start3A_375] : memref<3x200x128xf32, #tpu.memory_space<vmem>> -> memref<1x200x128xf32, #tpu.memory_space<vmem>>
    %dma_start3A_377 = tpu.memref_squeeze %dma_start3A_376 : memref<1x200x128xf32, #tpu.memory_space<vmem>> -> memref<200x128xf32, #tpu.memory_space<vmem>>
    %dma_start3A_378 = arith.constant 0 : i32
    %dma_start3A_379 = tpu.memref_slice %arg4[%add3A_372, %dma_start3A_378] : memref<819200x128xf32, #tpu.memory_space<hbm>> -> memref<200x128xf32, #tpu.memory_space<hbm>>
    %dma_start3A_380 = arith.constant 0 : i32
    %dma_start3A_381 = tpu.memref_slice %arg4[%add3A_372, %dma_start3A_380] : memref<819200x128xf32, #tpu.memory_space<hbm>> -> memref<200x128xf32, #tpu.memory_space<hbm>>
    %dma_start3A_382 = arith.constant 0 : i32
    %dma_start3A_383 = arith.constant 0 : i32
    %dma_start3A_384 = tpu.memref_slice %arg6[%dma_start3A_373, %dma_start3A_382, %dma_start3A_383] : memref<3x200x128xf32, #tpu.memory_space<vmem>> -> memref<1x200x128xf32, #tpu.memory_space<vmem>>
    %dma_start3A_385 = tpu.memref_squeeze %dma_start3A_384 : memref<1x200x128xf32, #tpu.memory_space<vmem>> -> memref<200x128xf32, #tpu.memory_space<vmem>>
    tpu.enqueue_dma source(%dma_start3A_385 : memref<200x128xf32, #tpu.memory_space<vmem>>) target(%dma_start3A_381 : memref<200x128xf32, #tpu.memory_space<hbm>>) target_semaphore(%arg11 : memref<!tpu.dma_semaphore, #tpu.memory_space<semaphore_mem>>)
    %dma_wait3A_386 = arith.constant 1 : i32
    %dma_wait3A_387 = arith.constant 0 : i32
    %dma_wait3A_388 = arith.constant 0 : i32
    %dma_wait3A_389 = tpu.memref_slice %arg6[%dma_wait3A_386, %dma_wait3A_387, %dma_wait3A_388] : memref<3x200x128xf32, #tpu.memory_space<vmem>> -> memref<1x200x128xf32, #tpu.memory_space<vmem>>
    %dma_wait3A_390 = tpu.memref_squeeze %dma_wait3A_389 : memref<1x200x128xf32, #tpu.memory_space<vmem>> -> memref<200x128xf32, #tpu.memory_space<vmem>>
    %dma_wait3A_391 = arith.constant 0 : i32
    %dma_wait3A_392 = arith.constant 0 : i32
    %dma_wait3A_393 = tpu.memref_slice %arg4[%dma_wait3A_391, %dma_wait3A_392] : memref<819200x128xf32, #tpu.memory_space<hbm>> -> memref<200x128xf32, #tpu.memory_space<hbm>>
    %dma_wait3A_394 = arith.constant 0 : i32
    %dma_wait3A_395 = arith.constant 0 : i32
    %dma_wait3A_396 = tpu.memref_slice %arg4[%dma_wait3A_394, %dma_wait3A_395] : memref<819200x128xf32, #tpu.memory_space<hbm>> -> memref<200x128xf32, #tpu.memory_space<hbm>>
    %dma_wait3A_397 = arith.constant 0 : i32
    %dma_wait3A_398 = arith.constant 0 : i32
    %dma_wait3A_399 = tpu.memref_slice %arg6[%dma_wait3A_386, %dma_wait3A_397, %dma_wait3A_398] : memref<3x200x128xf32, #tpu.memory_space<vmem>> -> memref<1x200x128xf32, #tpu.memory_space<vmem>>
    %dma_wait3A_400 = tpu.memref_squeeze %dma_wait3A_399 : memref<1x200x128xf32, #tpu.memory_space<vmem>> -> memref<200x128xf32, #tpu.memory_space<vmem>>
    tpu.wait_dma2 semaphore(%arg11 : memref<!tpu.dma_semaphore, #tpu.memory_space<semaphore_mem>>) src(%dma_wait3A_400 : memref<200x128xf32, #tpu.memory_space<vmem>>) dst(%dma_wait3A_396 : memref<200x128xf32, #tpu.memory_space<hbm>>)
    %dma_start3A_401 = arith.constant 127 : i32
    %dma_start3A_402 = arith.constant 1 : i32
    %dma_start3A_403 = arith.constant 0 : i32
    %dma_start3A_404 = arith.constant 0 : i32
    %dma_start3A_405 = tpu.memref_slice %arg6[%dma_start3A_402, %dma_start3A_403, %dma_start3A_404] : memref<3x200x128xf32, #tpu.memory_space<vmem>> -> memref<1x128x128xf32, #tpu.memory_space<vmem>>
    %dma_start3A_406 = tpu.memref_squeeze %dma_start3A_405 : memref<1x128x128xf32, #tpu.memory_space<vmem>> -> memref<128x128xf32, #tpu.memory_space<vmem>>
    %dma_start3A_407 = arith.constant 0 : i32
    %dma_start3A_408 = tpu.memref_slice %arg5[%dma_start3A_401, %dma_start3A_407] : memref<128x200xi32, #tpu.memory_space<vmem>> -> memref<1x128xi32, #tpu.memory_space<vmem>>
    %dma_start3A_409 = tpu.memref_squeeze %dma_start3A_408 : memref<1x128xi32, #tpu.memory_space<vmem>> -> memref<128xi32, #tpu.memory_space<vmem>>
    %dma_start3A_410 = arith.constant 0 : i32
    %dma_start3A_411 = arith.constant 0 : i32
    %dma_start3A_412 = tpu.memref_slice %arg3[%dma_start3A_410, %dma_start3A_411] : memref<1000000x128xf32, #tpu.memory_space<hbm>> -> memref<1000000x128xf32, #tpu.memory_space<hbm>>
    tpu.enqueue_indirect_dma source(%dma_start3A_412 : memref<1000000x128xf32, #tpu.memory_space<hbm>>) target(%dma_start3A_406 : memref<128x128xf32, #tpu.memory_space<vmem>>) offsets(%dma_start3A_409 : memref<128xi32, #tpu.memory_space<vmem>>) semaphore(%arg8 : memref<!tpu.dma_semaphore, #tpu.memory_space<semaphore_mem>>)
    %dma_start3A_413 = arith.constant 127 : i32
    %dma_start3A_414 = arith.constant 1 : i32
    %dma_start3A_415 = arith.constant 128 : i32
    %dma_start3A_416 = arith.constant 0 : i32
    %dma_start3A_417 = tpu.memref_slice %arg6[%dma_start3A_414, %dma_start3A_415, %dma_start3A_416] : memref<3x200x128xf32, #tpu.memory_space<vmem>> -> memref<1x72x128xf32, #tpu.memory_space<vmem>>
    %dma_start3A_418 = tpu.memref_squeeze %dma_start3A_417 : memref<1x72x128xf32, #tpu.memory_space<vmem>> -> memref<72x128xf32, #tpu.memory_space<vmem>>
    %dma_start3A_419 = arith.constant 128 : i32
    %dma_start3A_420 = tpu.memref_slice %arg5[%dma_start3A_413, %dma_start3A_419] : memref<128x200xi32, #tpu.memory_space<vmem>> -> memref<1x72xi32, #tpu.memory_space<vmem>>
    %dma_start3A_421 = tpu.memref_squeeze %dma_start3A_420 : memref<1x72xi32, #tpu.memory_space<vmem>> -> memref<72xi32, #tpu.memory_space<vmem>>
    %dma_start3A_422 = arith.constant 0 : i32
    %dma_start3A_423 = arith.constant 0 : i32
    %dma_start3A_424 = tpu.memref_slice %arg3[%dma_start3A_422, %dma_start3A_423] : memref<1000000x128xf32, #tpu.memory_space<hbm>> -> memref<1000000x128xf32, #tpu.memory_space<hbm>>
    tpu.enqueue_indirect_dma source(%dma_start3A_424 : memref<1000000x128xf32, #tpu.memory_space<hbm>>) target(%dma_start3A_418 : memref<72x128xf32, #tpu.memory_space<vmem>>) offsets(%dma_start3A_421 : memref<72xi32, #tpu.memory_space<vmem>>) semaphore(%arg8 : memref<!tpu.dma_semaphore, #tpu.memory_space<semaphore_mem>>)
    %dma_wait3A_425 = arith.constant 2 : i32
    %dma_wait3A_426 = arith.constant 0 : i32
    %dma_wait3A_427 = arith.constant 0 : i32
    %dma_wait3A_428 = tpu.memref_slice %arg6[%dma_wait3A_425, %dma_wait3A_426, %dma_wait3A_427] : memref<3x200x128xf32, #tpu.memory_space<vmem>> -> memref<1x200x128xf32, #tpu.memory_space<vmem>>
    %dma_wait3A_429 = tpu.memref_squeeze %dma_wait3A_428 : memref<1x200x128xf32, #tpu.memory_space<vmem>> -> memref<200x128xf32, #tpu.memory_space<vmem>>
    %dma_wait3A_430 = arith.constant 0 : i32
    %dma_wait3A_431 = arith.constant 0 : i32
    %dma_wait3A_432 = tpu.memref_slice %arg3[%dma_wait3A_430, %dma_wait3A_431] : memref<1000000x128xf32, #tpu.memory_space<hbm>> -> memref<200x128xf32, #tpu.memory_space<hbm>>
    %dma_wait3A_433 = arith.constant 0 : i32
    %dma_wait3A_434 = arith.constant 0 : i32
    %dma_wait3A_435 = tpu.memref_slice %arg6[%dma_wait3A_425, %dma_wait3A_433, %dma_wait3A_434] : memref<3x200x128xf32, #tpu.memory_space<vmem>> -> memref<1x200x128xf32, #tpu.memory_space<vmem>>
    %dma_wait3A_436 = tpu.memref_squeeze %dma_wait3A_435 : memref<1x200x128xf32, #tpu.memory_space<vmem>> -> memref<200x128xf32, #tpu.memory_space<vmem>>
    %dma_wait3A_437 = arith.constant 0 : i32
    %dma_wait3A_438 = arith.constant 0 : i32
    %dma_wait3A_439 = tpu.memref_slice %arg3[%dma_wait3A_437, %dma_wait3A_438] : memref<1000000x128xf32, #tpu.memory_space<hbm>> -> memref<200x128xf32, #tpu.memory_space<hbm>>
    tpu.wait_dma2 semaphore(%arg9 : memref<!tpu.dma_semaphore, #tpu.memory_space<semaphore_mem>>) src(%dma_wait3A_439 : memref<200x128xf32, #tpu.memory_space<hbm>>) dst(%dma_wait3A_436 : memref<200x128xf32, #tpu.memory_space<vmem>>)
    %add3A_440 = arith.constant 25000 : i32
    %add3A_441 = arith.addi %mul3A_2, %add3A_440 : i32
    %dma_start3A_442 = arith.constant 2 : i32
    %dma_start3A_443 = arith.constant 0 : i32
    %dma_start3A_444 = arith.constant 0 : i32
    %dma_start3A_445 = tpu.memref_slice %arg6[%dma_start3A_442, %dma_start3A_443, %dma_start3A_444] : memref<3x200x128xf32, #tpu.memory_space<vmem>> -> memref<1x200x128xf32, #tpu.memory_space<vmem>>
    %dma_start3A_446 = tpu.memref_squeeze %dma_start3A_445 : memref<1x200x128xf32, #tpu.memory_space<vmem>> -> memref<200x128xf32, #tpu.memory_space<vmem>>
    %dma_start3A_447 = arith.constant 0 : i32
    %dma_start3A_448 = tpu.memref_slice %arg4[%add3A_441, %dma_start3A_447] : memref<819200x128xf32, #tpu.memory_space<hbm>> -> memref<200x128xf32, #tpu.memory_space<hbm>>
    %dma_start3A_449 = arith.constant 0 : i32
    %dma_start3A_450 = tpu.memref_slice %arg4[%add3A_441, %dma_start3A_449] : memref<819200x128xf32, #tpu.memory_space<hbm>> -> memref<200x128xf32, #tpu.memory_space<hbm>>
    %dma_start3A_451 = arith.constant 0 : i32
    %dma_start3A_452 = arith.constant 0 : i32
    %dma_start3A_453 = tpu.memref_slice %arg6[%dma_start3A_442, %dma_start3A_451, %dma_start3A_452] : memref<3x200x128xf32, #tpu.memory_space<vmem>> -> memref<1x200x128xf32, #tpu.memory_space<vmem>>
    %dma_start3A_454 = tpu.memref_squeeze %dma_start3A_453 : memref<1x200x128xf32, #tpu.memory_space<vmem>> -> memref<200x128xf32, #tpu.memory_space<vmem>>
    tpu.enqueue_dma source(%dma_start3A_454 : memref<200x128xf32, #tpu.memory_space<vmem>>) target(%dma_start3A_450 : memref<200x128xf32, #tpu.memory_space<hbm>>) target_semaphore(%arg12 : memref<!tpu.dma_semaphore, #tpu.memory_space<semaphore_mem>>)
    %dma_wait3A_455 = arith.constant 2 : i32
    %dma_wait3A_456 = arith.constant 0 : i32
    %dma_wait3A_457 = arith.constant 0 : i32
    %dma_wait3A_458 = tpu.memref_slice %arg6[%dma_wait3A_455, %dma_wait3A_456, %dma_wait3A_457] : memref<3x200x128xf32, #tpu.memory_space<vmem>> -> memref<1x200x128xf32, #tpu.memory_space<vmem>>
    %dma_wait3A_459 = tpu.memref_squeeze %dma_wait3A_458 : memref<1x200x128xf32, #tpu.memory_space<vmem>> -> memref<200x128xf32, #tpu.memory_space<vmem>>
    %dma_wait3A_460 = arith.constant 0 : i32
    %dma_wait3A_461 = arith.constant 0 : i32
    %dma_wait3A_462 = tpu.memref_slice %arg4[%dma_wait3A_460, %dma_wait3A_461] : memref<819200x128xf32, #tpu.memory_space<hbm>> -> memref<200x128xf32, #tpu.memory_space<hbm>>
    %dma_wait3A_463 = arith.constant 0 : i32
    %dma_wait3A_464 = arith.constant 0 : i32
    %dma_wait3A_465 = tpu.memref_slice %arg4[%dma_wait3A_463, %dma_wait3A_464] : memref<819200x128xf32, #tpu.memory_space<hbm>> -> memref<200x128xf32, #tpu.memory_space<hbm>>
    %dma_wait3A_466 = arith.constant 0 : i32
    %dma_wait3A_467 = arith.constant 0 : i32
    %dma_wait3A_468 = tpu.memref_slice %arg6[%dma_wait3A_455, %dma_wait3A_466, %dma_wait3A_467] : memref<3x200x128xf32, #tpu.memory_space<vmem>> -> memref<1x200x128xf32, #tpu.memory_space<vmem>>
    %dma_wait3A_469 = tpu.memref_squeeze %dma_wait3A_468 : memref<1x200x128xf32, #tpu.memory_space<vmem>> -> memref<200x128xf32, #tpu.memory_space<vmem>>
    tpu.wait_dma2 semaphore(%arg12 : memref<!tpu.dma_semaphore, #tpu.memory_space<semaphore_mem>>) src(%dma_wait3A_469 : memref<200x128xf32, #tpu.memory_space<vmem>>) dst(%dma_wait3A_465 : memref<200x128xf32, #tpu.memory_space<hbm>>)
    %dma_wait3A_470 = arith.constant 0 : i32
    %dma_wait3A_471 = arith.constant 0 : i32
    %dma_wait3A_472 = arith.constant 0 : i32
    %dma_wait3A_473 = tpu.memref_slice %arg6[%dma_wait3A_470, %dma_wait3A_471, %dma_wait3A_472] : memref<3x200x128xf32, #tpu.memory_space<vmem>> -> memref<1x200x128xf32, #tpu.memory_space<vmem>>
    %dma_wait3A_474 = tpu.memref_squeeze %dma_wait3A_473 : memref<1x200x128xf32, #tpu.memory_space<vmem>> -> memref<200x128xf32, #tpu.memory_space<vmem>>
    %dma_wait3A_475 = arith.constant 0 : i32
    %dma_wait3A_476 = arith.constant 0 : i32
    %dma_wait3A_477 = tpu.memref_slice %arg3[%dma_wait3A_475, %dma_wait3A_476] : memref<1000000x128xf32, #tpu.memory_space<hbm>> -> memref<200x128xf32, #tpu.memory_space<hbm>>
    %dma_wait3A_478 = arith.constant 0 : i32
    %dma_wait3A_479 = arith.constant 0 : i32
    %dma_wait3A_480 = tpu.memref_slice %arg6[%dma_wait3A_470, %dma_wait3A_478, %dma_wait3A_479] : memref<3x200x128xf32, #tpu.memory_space<vmem>> -> memref<1x200x128xf32, #tpu.memory_space<vmem>>
    %dma_wait3A_481 = tpu.memref_squeeze %dma_wait3A_480 : memref<1x200x128xf32, #tpu.memory_space<vmem>> -> memref<200x128xf32, #tpu.memory_space<vmem>>
    %dma_wait3A_482 = arith.constant 0 : i32
    %dma_wait3A_483 = arith.constant 0 : i32
    %dma_wait3A_484 = tpu.memref_slice %arg3[%dma_wait3A_482, %dma_wait3A_483] : memref<1000000x128xf32, #tpu.memory_space<hbm>> -> memref<200x128xf32, #tpu.memory_space<hbm>>
    tpu.wait_dma2 semaphore(%arg7 : memref<!tpu.dma_semaphore, #tpu.memory_space<semaphore_mem>>) src(%dma_wait3A_484 : memref<200x128xf32, #tpu.memory_space<hbm>>) dst(%dma_wait3A_481 : memref<200x128xf32, #tpu.memory_space<vmem>>)
    %add3A_485 = arith.constant 25200 : i32
    %add3A_486 = arith.addi %mul3A_2, %add3A_485 : i32
    %dma_start3A_487 = arith.constant 0 : i32
    %dma_start3A_488 = arith.constant 0 : i32
    %dma_start3A_489 = arith.constant 0 : i32
    %dma_start3A_490 = tpu.memref_slice %arg6[%dma_start3A_487, %dma_start3A_488, %dma_start3A_489] : memref<3x200x128xf32, #tpu.memory_space<vmem>> -> memref<1x200x128xf32, #tpu.memory_space<vmem>>
    %dma_start3A_491 = tpu.memref_squeeze %dma_start3A_490 : memref<1x200x128xf32, #tpu.memory_space<vmem>> -> memref<200x128xf32, #tpu.memory_space<vmem>>
    %dma_start3A_492 = arith.constant 0 : i32
    %dma_start3A_493 = tpu.memref_slice %arg4[%add3A_486, %dma_start3A_492] : memref<819200x128xf32, #tpu.memory_space<hbm>> -> memref<200x128xf32, #tpu.memory_space<hbm>>
    %dma_start3A_494 = arith.constant 0 : i32
    %dma_start3A_495 = tpu.memref_slice %arg4[%add3A_486, %dma_start3A_494] : memref<819200x128xf32, #tpu.memory_space<hbm>> -> memref<200x128xf32, #tpu.memory_space<hbm>>
    %dma_start3A_496 = arith.constant 0 : i32
    %dma_start3A_497 = arith.constant 0 : i32
    %dma_start3A_498 = tpu.memref_slice %arg6[%dma_start3A_487, %dma_start3A_496, %dma_start3A_497] : memref<3x200x128xf32, #tpu.memory_space<vmem>> -> memref<1x200x128xf32, #tpu.memory_space<vmem>>
    %dma_start3A_499 = tpu.memref_squeeze %dma_start3A_498 : memref<1x200x128xf32, #tpu.memory_space<vmem>> -> memref<200x128xf32, #tpu.memory_space<vmem>>
    tpu.enqueue_dma source(%dma_start3A_499 : memref<200x128xf32, #tpu.memory_space<vmem>>) target(%dma_start3A_495 : memref<200x128xf32, #tpu.memory_space<hbm>>) target_semaphore(%arg10 : memref<!tpu.dma_semaphore, #tpu.memory_space<semaphore_mem>>)
    %dma_wait3A_500 = arith.constant 0 : i32
    %dma_wait3A_501 = arith.constant 0 : i32
    %dma_wait3A_502 = arith.constant 0 : i32
    %dma_wait3A_503 = tpu.memref_slice %arg6[%dma_wait3A_500, %dma_wait3A_501, %dma_wait3A_502] : memref<3x200x128xf32, #tpu.memory_space<vmem>> -> memref<1x200x128xf32, #tpu.memory_space<vmem>>
    %dma_wait3A_504 = tpu.memref_squeeze %dma_wait3A_503 : memref<1x200x128xf32, #tpu.memory_space<vmem>> -> memref<200x128xf32, #tpu.memory_space<vmem>>
    %dma_wait3A_505 = arith.constant 0 : i32
    %dma_wait3A_506 = arith.constant 0 : i32
    %dma_wait3A_507 = tpu.memref_slice %arg4[%dma_wait3A_505, %dma_wait3A_506] : memref<819200x128xf32, #tpu.memory_space<hbm>> -> memref<200x128xf32, #tpu.memory_space<hbm>>
    %dma_wait3A_508 = arith.constant 0 : i32
    %dma_wait3A_509 = arith.constant 0 : i32
    %dma_wait3A_510 = tpu.memref_slice %arg4[%dma_wait3A_508, %dma_wait3A_509] : memref<819200x128xf32, #tpu.memory_space<hbm>> -> memref<200x128xf32, #tpu.memory_space<hbm>>
    %dma_wait3A_511 = arith.constant 0 : i32
    %dma_wait3A_512 = arith.constant 0 : i32
    %dma_wait3A_513 = tpu.memref_slice %arg6[%dma_wait3A_500, %dma_wait3A_511, %dma_wait3A_512] : memref<3x200x128xf32, #tpu.memory_space<vmem>> -> memref<1x200x128xf32, #tpu.memory_space<vmem>>
    %dma_wait3A_514 = tpu.memref_squeeze %dma_wait3A_513 : memref<1x200x128xf32, #tpu.memory_space<vmem>> -> memref<200x128xf32, #tpu.memory_space<vmem>>
    tpu.wait_dma2 semaphore(%arg10 : memref<!tpu.dma_semaphore, #tpu.memory_space<semaphore_mem>>) src(%dma_wait3A_514 : memref<200x128xf32, #tpu.memory_space<vmem>>) dst(%dma_wait3A_510 : memref<200x128xf32, #tpu.memory_space<hbm>>)
    %dma_wait3A_515 = arith.constant 1 : i32
    %dma_wait3A_516 = arith.constant 0 : i32
    %dma_wait3A_517 = arith.constant 0 : i32
    %dma_wait3A_518 = tpu.memref_slice %arg6[%dma_wait3A_515, %dma_wait3A_516, %dma_wait3A_517] : memref<3x200x128xf32, #tpu.memory_space<vmem>> -> memref<1x200x128xf32, #tpu.memory_space<vmem>>
    %dma_wait3A_519 = tpu.memref_squeeze %dma_wait3A_518 : memref<1x200x128xf32, #tpu.memory_space<vmem>> -> memref<200x128xf32, #tpu.memory_space<vmem>>
    %dma_wait3A_520 = arith.constant 0 : i32
    %dma_wait3A_521 = arith.constant 0 : i32
    %dma_wait3A_522 = tpu.memref_slice %arg3[%dma_wait3A_520, %dma_wait3A_521] : memref<1000000x128xf32, #tpu.memory_space<hbm>> -> memref<200x128xf32, #tpu.memory_space<hbm>>
    %dma_wait3A_523 = arith.constant 0 : i32
    %dma_wait3A_524 = arith.constant 0 : i32
    %dma_wait3A_525 = tpu.memref_slice %arg6[%dma_wait3A_515, %dma_wait3A_523, %dma_wait3A_524] : memref<3x200x128xf32, #tpu.memory_space<vmem>> -> memref<1x200x128xf32, #tpu.memory_space<vmem>>
    %dma_wait3A_526 = tpu.memref_squeeze %dma_wait3A_525 : memref<1x200x128xf32, #tpu.memory_space<vmem>> -> memref<200x128xf32, #tpu.memory_space<vmem>>
    %dma_wait3A_527 = arith.constant 0 : i32
    %dma_wait3A_528 = arith.constant 0 : i32
    %dma_wait3A_529 = tpu.memref_slice %arg3[%dma_wait3A_527, %dma_wait3A_528] : memref<1000000x128xf32, #tpu.memory_space<hbm>> -> memref<200x128xf32, #tpu.memory_space<hbm>>
    tpu.wait_dma2 semaphore(%arg8 : memref<!tpu.dma_semaphore, #tpu.memory_space<semaphore_mem>>) src(%dma_wait3A_529 : memref<200x128xf32, #tpu.memory_space<hbm>>) dst(%dma_wait3A_526 : memref<200x128xf32, #tpu.memory_space<vmem>>)
    %add3A_530 = arith.constant 25400 : i32
    %add3A_531 = arith.addi %mul3A_2, %add3A_530 : i32
    %dma_start3A_532 = arith.constant 1 : i32
    %dma_start3A_533 = arith.constant 0 : i32
    %dma_start3A_534 = arith.constant 0 : i32
    %dma_start3A_535 = tpu.memref_slice %arg6[%dma_start3A_532, %dma_start3A_533, %dma_start3A_534] : memref<3x200x128xf32, #tpu.memory_space<vmem>> -> memref<1x200x128xf32, #tpu.memory_space<vmem>>
    %dma_start3A_536 = tpu.memref_squeeze %dma_start3A_535 : memref<1x200x128xf32, #tpu.memory_space<vmem>> -> memref<200x128xf32, #tpu.memory_space<vmem>>
    %dma_start3A_537 = arith.constant 0 : i32
    %dma_start3A_538 = tpu.memref_slice %arg4[%add3A_531, %dma_start3A_537] : memref<819200x128xf32, #tpu.memory_space<hbm>> -> memref<200x128xf32, #tpu.memory_space<hbm>>
    %dma_start3A_539 = arith.constant 0 : i32
    %dma_start3A_540 = tpu.memref_slice %arg4[%add3A_531, %dma_start3A_539] : memref<819200x128xf32, #tpu.memory_space<hbm>> -> memref<200x128xf32, #tpu.memory_space<hbm>>
    %dma_start3A_541 = arith.constant 0 : i32
    %dma_start3A_542 = arith.constant 0 : i32
    %dma_start3A_543 = tpu.memref_slice %arg6[%dma_start3A_532, %dma_start3A_541, %dma_start3A_542] : memref<3x200x128xf32, #tpu.memory_space<vmem>> -> memref<1x200x128xf32, #tpu.memory_space<vmem>>
    %dma_start3A_544 = tpu.memref_squeeze %dma_start3A_543 : memref<1x200x128xf32, #tpu.memory_space<vmem>> -> memref<200x128xf32, #tpu.memory_space<vmem>>
    tpu.enqueue_dma source(%dma_start3A_544 : memref<200x128xf32, #tpu.memory_space<vmem>>) target(%dma_start3A_540 : memref<200x128xf32, #tpu.memory_space<hbm>>) target_semaphore(%arg11 : memref<!tpu.dma_semaphore, #tpu.memory_space<semaphore_mem>>)
    %dma_wait3A_545 = arith.constant 1 : i32
    %dma_wait3A_546 = arith.constant 0 : i32
    %dma_wait3A_547 = arith.constant 0 : i32
    %dma_wait3A_548 = tpu.memref_slice %arg6[%dma_wait3A_545, %dma_wait3A_546, %dma_wait3A_547] : memref<3x200x128xf32, #tpu.memory_space<vmem>> -> memref<1x200x128xf32, #tpu.memory_space<vmem>>
    %dma_wait3A_549 = tpu.memref_squeeze %dma_wait3A_548 : memref<1x200x128xf32, #tpu.memory_space<vmem>> -> memref<200x128xf32, #tpu.memory_space<vmem>>
    %dma_wait3A_550 = arith.constant 0 : i32
    %dma_wait3A_551 = arith.constant 0 : i32
    %dma_wait3A_552 = tpu.memref_slice %arg4[%dma_wait3A_550, %dma_wait3A_551] : memref<819200x128xf32, #tpu.memory_space<hbm>> -> memref<200x128xf32, #tpu.memory_space<hbm>>
    %dma_wait3A_553 = arith.constant 0 : i32
    %dma_wait3A_554 = arith.constant 0 : i32
    %dma_wait3A_555 = tpu.memref_slice %arg4[%dma_wait3A_553, %dma_wait3A_554] : memref<819200x128xf32, #tpu.memory_space<hbm>> -> memref<200x128xf32, #tpu.memory_space<hbm>>
    %dma_wait3A_556 = arith.constant 0 : i32
    %dma_wait3A_557 = arith.constant 0 : i32
    %dma_wait3A_558 = tpu.memref_slice %arg6[%dma_wait3A_545, %dma_wait3A_556, %dma_wait3A_557] : memref<3x200x128xf32, #tpu.memory_space<vmem>> -> memref<1x200x128xf32, #tpu.memory_space<vmem>>
    %dma_wait3A_559 = tpu.memref_squeeze %dma_wait3A_558 : memref<1x200x128xf32, #tpu.memory_space<vmem>> -> memref<200x128xf32, #tpu.memory_space<vmem>>
    tpu.wait_dma2 semaphore(%arg11 : memref<!tpu.dma_semaphore, #tpu.memory_space<semaphore_mem>>) src(%dma_wait3A_559 : memref<200x128xf32, #tpu.memory_space<vmem>>) dst(%dma_wait3A_555 : memref<200x128xf32, #tpu.memory_space<hbm>>)
    return
  }
}

</mosaic_0001>

<sc_bundles>
// kernel: kernel.3.cloned.1.call-start
scs
__scs_entry_jumppad:
0x0: {  	(pc) =	sbr.rel $0x88, $3  }
0x1: {  	(tag) =	ssettag $0x0;
	lr =	simm.s32 $0x1  }
0x2: {  	[smem:$0x3F9F] =	sst lr;
	_ =	strace $0xD0000000  }
0x3: {  	_ = 	snop  }
0x4: {  	_ = 	snop  }
0x5: {  	_ = 	snop  }
0x6: {  	_ = 	snop  }
0x7: {  	_ = 	snop  }
__scs_overlays_trampoline_lowered:
0x8: {  	[smem:$0x3FAE] =	sst s0  }
0x9: {  	[smem:$0x3FAF] =	sst s1  }
0xa: {  	[smem:$0x3FB0] =	sst s2  }
0xb: {  	[smem:$0x3FB1] =	sst s3  }
0xc: {  	[smem:$0x3FB2] =	sst s4  }
0xd: {  	[smem:$0x3FB3] =	sst s5  }
0xe: {  	[smem:$0x3FB4] =	sst s6  }
0xf: {  	[smem:$0x3FB5] =	sst s7  }
0x10: {  	[smem:$0x3FB6] =	sst s8  }
0x11: {  	[smem:$0x3FB7] =	sst s9;
	s0 =	simm.s32 @!p0 $0x0  }
0x12: {  	s1 =	sld [smem:$0x3F9D];
	s0 =	simm.s32 @p0 $0x1  }
0x13: {  	[smem:$0x3FB8] =	sst s0;
	s0 =	simm.s32 @!p1 $0x0  }
0x14: {  	s2 =	sld [smem:$0x3F9C];
	s0 =	simm.s32 @p1 $0x1  }
0x15: {  	[smem:$0x3FB9] =	sst s0;
	s0 =	simm.s32 @!p2 $0x0  }
0x16: {  	s3 =	sld [smem:$0x3FDB];
	s0 =	simm.s32 @p2 $0x1  }
0x17: {  	s4 =	simm.s32 $0x1BF5;
	[smem:$0x3FBB] =	sst s0  }
0x18: {  	s0 =	sld [smem:$0x3F9E];
	_ =	swait.ge [sflag:s4], $0x0  }
0x19: {  	s7 =	sld [smem:$0x3F9F]  }
0x1a: {  	s8 =	sadd.s32 $0xFFFFE003, lr  }
0x1b: {  	s9 =	sadd.s32 $0xFFFFFEF7, lr;
	s5 =	simm.s32 $0xFFFFFFFF;
	p2 =	slt.u32 s8, $0xFFFFF086  }
0x1c: {  	p1 =	slt.u32 s9, $0xF7A;
	s5 =	simm.s32 @!p2 $0x0  }
0x1d: {  	s5 =	simm.s32 @p1 $0x1;
	p0 =	seq.s32 s7, s2  }
0x1e: {  	s7 =	smul.u32 @!p0 $0xF7A, s2;
	p2 =	seq.s32 @!p0 s5, $0x0  }
0x1f: {  	s9 =	smul.u32 $0xF7A, s1;
	s8 =	simm.s32 @!p0 $0x1BF5;
	p2 =	por !p2, p0  }
0x20: {  	[sflag:s8] =	ssyncset.s32 @!p0 $0xFFFFF086;
	s6 =	sadd.s32 @!p0 s3, s7;
	s7 =	simm.s32 @!p0 $0x108  }
0x21: {  	s3 =	sadd.s32 s3, s9;
	s6 =	sadd.s32 @!p0 $0x88, s6;
	s7 =	simm.s32 @p2 $0x1082  }
0x22: {  	[simem:s7], [sflag:s8] =	dma.local @!p0 [hbm:s6], $0xF7A  }
0x23: {  	s9 =	sor.u32 $0xD0000000, s2;
	s6 =	simm.s32 $0x108;
	_ =	swait.ge @!p0 [sflag:s8], $0x0  }
0x24: {  	s3 =	sadd.s32 $0x88, s3;
	s6 =	simm.s32 @!p1 $0x1082;
	[sflag:s4] =	ssyncset.s32 $0xFFFFF086  }
0x25: {  	[simem:s6], [sflag:s4] =	dma.local [hbm:s3], $0xF7A  }
0x26: {  	[smem:$0x3F9F] =	sst s1;
	(tag) =	ssettag s2;
	_ =	strace s9  }
0x27: {  	s1 =	sld [smem:$0x3FAF]  }
0x28: {  	s2 =	sld [smem:$0x3FB0]  }
0x29: {  	s4 =	sld [smem:$0x3FB2]  }
0x2a: {  	p0 =	seq.s32 s5, $0x0;
	s5 =	sld [smem:$0x3FB3]  }
0x2b: {  	s6 =	sld [smem:$0x3FB4]  }
0x2c: {  	s7 =	sld [smem:$0x3FB5]  }
0x2d: {  	s3 =	simm.s32 $0x108;
	s8 =	sld [smem:$0x3FB6]  }
0x2e: {  	s3 =	simm.s32 @!p0 $0x1082;
	s9 =	sld [smem:$0x3FB7]  }
0x2f: {  	lr =	sadd.s32 s0, s3;
	s0 =	sld [smem:$0x3FAE]  }
0x30: {  	s3 =	sld [smem:$0x3FB1]  }
0x31: {  	[smem:$0x3FBA] =	sst s10  }
0x32: {  	s10 =	sld [smem:$0x3FB8];
	_ =	sdelay $0x3  }
0x33: {  	p0 =	seq.s32 s10, $0x1;
	s10 =	sld [smem:$0x3FBA];
	_ =	sdelay $0x3  }
0x34: {  	[smem:$0x3FBA] =	sst s10  }
0x35: {  	s10 =	sld [smem:$0x3FB9];
	_ =	sdelay $0x3  }
0x36: {  	p1 =	seq.s32 s10, $0x1;
	s10 =	sld [smem:$0x3FBA];
	_ =	sdelay $0x3  }
0x37: {  	[smem:$0x3FBA] =	sst s10  }
0x38: {  	s10 =	sld [smem:$0x3FBB]  }
0x39: {  	_ = 	snop;
	(pc) =	sbr.ind lr, $3  }
0x3a: {  	_ = 	snop  }
0x3b: {  	_ = 	snop  }
0x3c: {  	p2 =	seq.s32 s10, $0x1;
	s10 =	sld [smem:$0x3FBA]  }
0x3d: {  	_ =	shalt  }
0x3e: {  	_ =	shalt  }
0x3f: {  	_ =	shalt  }
0x40: {  	_ =	shalt  }
0x41: {  	_ =	shalt  }
0x42: {  	_ =	shalt  }
0x43: {  	_ =	shalt  }
0x44: {  	_ =	shalt  }
0x45: {  	_ =	shalt  }
0x46: {  	_ =	shalt  }
0x47: {  	_ =	shalt  }
0x48: {  	_ =	shalt  }
0x49: {  	_ =	shalt  }
0x4a: {  	_ =	shalt  }
0x4b: {  	_ =	shalt  }
0x4c: {  	_ =	shalt  }
0x4d: {  	_ =	shalt  }
0x4e: {  	_ =	shalt  }
0x4f: {  	_ =	shalt  }
0x50: {  	_ =	shalt  }
0x51: {  	_ =	shalt  }
0x52: {  	_ =	shalt  }
0x53: {  	_ =	shalt  }
0x54: {  	_ =	shalt  }
0x55: {  	_ =	shalt  }
0x56: {  	_ =	shalt  }
0x57: {  	_ =	shalt  }
0x58: {  	_ =	shalt  }
0x59: {  	_ =	shalt  }
0x5a: {  	_ =	shalt  }
0x5b: {  	_ =	shalt  }
0x5c: {  	_ =	shalt  }
0x5d: {  	_ =	shalt  }
0x5e: {  	_ =	shalt  }
0x5f: {  	_ =	shalt  }
0x60: {  	_ =	shalt  }
0x61: {  	_ =	shalt  }
0x62: {  	_ =	shalt  }
0x63: {  	_ =	shalt  }
0x64: {  	_ =	shalt  }
0x65: {  	_ =	shalt  }
0x66: {  	_ =	shalt  }
0x67: {  	_ =	shalt  }
0x68: {  	_ =	shalt  }
0x69: {  	_ =	shalt  }
0x6a: {  	_ =	shalt  }
0x6b: {  	_ =	shalt  }
0x6c: {  	_ =	shalt  }
0x6d: {  	_ =	shalt  }
0x6e: {  	_ =	shalt  }
0x6f: {  	_ =	shalt  }
0x70: {  	_ =	shalt  }
0x71: {  	_ =	shalt  }
0x72: {  	_ =	shalt  }
0x73: {  	_ =	shalt  }
0x74: {  	_ =	shalt  }
0x75: {  	_ =	shalt  }
0x76: {  	_ =	shalt  }
0x77: {  	_ =	shalt  }
0x78: {  	_ =	shalt  }
0x79: {  	_ =	shalt  }
0x7a: {  	_ =	shalt  }
0x7b: {  	_ =	shalt  }
0x7c: {  	_ =	shalt  }
0x7d: {  	_ =	shalt  }
0x7e: {  	_ =	shalt  }
0x7f: {  	_ =	shalt  }
0x80: {  	_ =	shalt  }
0x81: {  	_ =	shalt  }
0x82: {  	_ =	shalt  }
0x83: {  	_ =	shalt  }
0x84: {  	_ =	shalt  }
0x85: {  	_ =	shalt  }
0x86: {  	_ =	shalt  }
0x87: {  	_ =	shalt  }
.Lfunc_end0:
.L_simem_size_0:
called_computation_lowered:
.L_overlay_start_0:
0x88: {  	s2 =	sld [smem:$0x3FD9]  }
0x89: {  	s3 =	sld [smem:$0x3FFE];
	_ =	sdelay $0x1  }
0x8a: {  	s1 =	srdreg.scid  }
0x8b: {  	s0 =	sand.u32 $0x1, s1  }
0x8c: {  	s17 =	sshll.u32 s0, $0xA;
	s2 =	sadd.s32 s3, s2  }
0x8d: {  	s2 =	sadd.s32 s2, s17  }
0x8e: {  	[smem:$0x3FC6] =	sst s2  }
0x8f: {  	_ = 	snop  }
0x90: {  	s2 =	sld [smem:$0x3FC8]  }
0x91: {  	s18 =	sld [smem:$0x3FD0];
	(tm) =	ssettm $0x1  }
0x92: {  	s4 =	sld [smem:$0x3FFB];
	_ =	sdelay $0x3  }
0x93: {  	_ =	strace s4  }
0x94: {  	s4 =	sld [smem:$0x3FFC];
	_ =	sdelay $0x3  }
0x95: {  	_ =	strace s4  }
0x96: {  	s4 =	sld [smem:$0x3FFD];
	_ =	sdelay $0x3  }
0x97: {  	_ =	strace s4  }
0x98: {  	_ =	strace $0x8FFFFFFF  }
0x99: {  	s19 =	sld [smem:$0x3FDB];
	_ =	sdelay $0x1  }
0x9a: {  	s5 =	simm.s32 $_scs_section_size  }
0x9b: {  	s6 =	simm.s32 $_size__tile_overlayer_lowered;
	s7 =	simm.s32 $_tile_overlayer_lowered  }
0x9c: {  	s22 =	simm.s32 $0x1BFF;
	s21 =	sshll.u32 s7, $0x1;
	s4 =	sadd.s32 s5, s19  }
0x9d: {  	s8 =	simm.s32 $0x0;
	s20 =	sshll.u32 s6, $0x1;
	s6 =	sadd.s32 s21, s4  }
0x9e: {  	[timem:s8], [sflag:s22] =	dma.local [hbm:s6], s20  }
0x9f: {  	_ =	swait.ge [sflag:s22], s20  }
0xa0: {  	s5 =	ssub.s32 $0x0, s20;
	[sflag:s22] =	ssyncset.done $0x0  }
0xa1: {  	[sflag:s22] =	ssyncadd.s32 s5;
	_ =	sdelay $0x1  }
0xa2: {  	s23 =	simm.s32 $0x1B8B  }
0xa3: {  	_ =	swait.ge [sflag:s23], $0x1  }
0xa4: {  	[sflag:s23] =	ssyncset.done $0x0  }
0xa5: {  	s25 =	simm.s32 $0x1B8E;
	s24 =	sld [smem:$0x3FFE];
	[sflag:s23] =	ssyncadd.s32 $0xFFFFFFFF  }
0xa6: {  	s26 =	simm.s32 $execute0_lowered;
	[smem:$0x3FD2] =	sst s25  }
0xa7: {  	s6 =	sshll.u32 s26, $0x1;
	_ =	strace $0x80000046;
	[dreg:$0x1] =	wrdreg $0xFFFFFFFF  }
0xa8: {  	s28 =	simm.s32 $_size_execute0_lowered;
	s4 =	sadd.s32 s4, s6;
	[dreg:$0x0] =	wrdreg $0x0  }
0xa9: {  	s6 =	sshll.u32 s28, $0x1;
	[dreg:$0x2] =	wrdreg s4  }
0xaa: {  	[dreg:$0x3] =	wrdreg s6  }
0xab: {  	[dreg:$0x4] =	wrdreg $0xC0  }
0xac: {  	_ =	task [dreg:s8], $0x5FFFF  }
0xad: {  	[dreg:$0x1] =	wrdreg $0xFFFFFFFF  }
0xae: {  	[dreg:$0x0] =	wrdreg $0x60  }
0xaf: {  	[dreg:$0x2] =	wrdreg s24  }
0xb0: {  	[dreg:$0x3] =	wrdreg s2  }
0xb1: {  	[dreg:$0x4] =	wrdreg s18  }
0xb2: {  	[dreg:$0x5] =	wrdreg $0x9  }
0xb3: {  	_ =	task.clear_ibuf [dreg:s8], $0x6FFFF;
	_ =	strace $0x90000046  }
0xb4: {  	s29 =	simm.s32 $0x9;
	_ =	strace $0x80000048  }
0xb5: {  	_ =	swait.ge [sflag:s29], $0x1  }
0xb6: {  	[sflag:s29] =	ssyncadd.s32 $0xFFFFFFFF  }
0xb7: {  	_ =	strace $0x90000048  }
0xb8: {  	_ =	sfence  }
0xb9: {  	s30 =	sld [smem:$0x0];
	_ =	sdelay $0x2  }
0xba: {  	s31 =	sshll.u32 s1, $0xD;
	s1 =	sshrl.u32 s1, $0x2  }
0xbb: {  	s3 =	sand.u32 $0x4000, s31;
	s1 =	sadd.s32 s1, s30  }
0xbc: {  	s0 =	sor.u32 s3, s0;
	s1 =	sshll.u32 s1, $0x11  }
0xbd: {  	s0 =	sor.u32 s1, s0  }
0xbe: {  	s0 =	sadd.s32 $0x8F2B, s0  }
0xbf: {  	[sflag:s0] =	ssyncadd.remote.s32 $0x1  }
0xc0: {  	_ =	sfence.sel $0xFFFF  }
0xc1: {  	[dreg:$0x0] =	wrdreg $0xFFFFFFFF;
	(pc) =	sbr.abs _section_cstart, $3  }
0xc2: {  	[dreg:$0x1] =	wrdreg $0xFFFFFFFF  }
0xc3: {  	_ =	task.clear_ibuf [dreg:s8], $0x2FFFF;
	_ =	strace $0x9FFFFFFF  }
0xc4: {  	(tm) =	ssettm $0x7FFFFFFF  }
0xc5: {  	_ =	shalt  }
tec
execute0_lowered:
.L_overlay_start_1:
0x0: {  	(tag) =	ssettag $0x1  }
0x1: {  	s0 =	rddreg [dreg:$0x0]  }
0x2: {  	s1 =	rddreg [dreg:$0x1]  }
0x3: {  	s2 =	rddreg [dreg:$0x2];
	s4 =	srdreg.scid  }
0x4: {  	s3 =	simm.s32 $0x0;
	s9 =	stileid.u32;
	s15 =	simm.s32 $0x7  }
0x5: {  	s16 =	simm.s32 $0x80;
	s17 =	simm.s32 $0x8000;
	s18 =	simm.s32 $0x48  }
0x6: {  	s20 =	simm.s32 $0xC000;
	s21 =	simm.s32 $0xE400;
	s28 =	simm.s32 $0x18800  }
0x7: {  	s29 =	simm.s32 $0x1;
	s30 =	simm.s32 $0x4;
	s19 =	simm.s32 $0x5  }
0x8: {  	s22 =	simm.s32 $0x3;
	s4 =	sand.u32 $0x1, s4;
	[smem:$0x7FF] =	sst s3  }
0x9: {  	s12 =	smul.u32 $0x64000, s9;
	s5 =	sshll.u32 s4, $0x4;
	_ =	strace $0x80000047  }
0xa: {  	s7 =	ssub.s32 $0x2, s4;
	s4 =	smul.u32 $0x640000, s4;
	s5 =	sor.u32 s9, s5  }
0xb: {  	s23 =	sshrl.u32 s7, $0x1;
	s6 =	sshll.u32 s5, $0xC;
	s8 =	smul.u32 $0x320000, s5  }
0xc: {  	s5 =	smul.u32 $0x64000, s5;
	s0 =	sadd.s32 s6, s0;
	s6 =	ssub.s32 s7, s23  }
0xd: {  	s23 =	simm.s32 $0x12400;
	s0 =	sadd.s32 $0x400, s0;
	s24 =	sshrl.u32 s8, $0x3  }
0xe: {  	s5 =	sadd.s32 s2, s5;
	s13 =	smax.u32 s6, $0x1;
	[dreg:$0x4] =	wrdreg s0  }
0xf: {  	s0 =	sadd.s32 s2, s24;
	s25 =	sadd.s32 $0xC80, s5;
	s2 =	sadd.s32 s4, s2  }
0x10: {  	s24 =	simm.s32 $0x6;
	[dreg:$0x5] =	wrdreg s25;
	s26 =	sadd.s32 $0x5F500, s0  }
0x11: {  	s31 =	sadd.s32 $0x60180, s0;
	s9 =	sadd.s32 $0x60E00, s0;
	s10 =	sadd.s32 $0x61A80, s0  }
0x12: {  	s11 =	sadd.s32 $0x62700, s0;
	s2 =	sadd.s32 s12, s2;
	s12 =	sadd.s32 $0x63380, s0  }
0x13: {  	s25 =	simm.s32 $0x14800;
	s0 =	simm.s32 $0x0;
	[dreg:$0x6] =	wrdreg s26  }
0x14: {  	[dreg:$0x7] =	wrdreg s31;
	s14 =	sadd.s32 $0x1900, s2;
	s2 =	simm.s32 $0x2  }
.LBB2_1:
0x15: {  	s4 =	rddreg [dreg:$0x4]  }
0x16: {  	[tilespmem:s3], [sflag:$0x7] =	stream.linear.gather [hbm4b:s4+s3], $0x8000, $0x38;
	[tilespmem:$0x1AC00] =	vst v63  }
0x17: {  	_ =	swait.ge [sflag:s15], $0x8000  }
0x18: {  	[sflag:s15] =	ssyncset.done $0x0  }
0x19: {  	[sflag:s15] =	ssyncadd.s32 $0xFFFF8000  }
0x1a: {  	[tilespmem:s17], [sflag:$0x1] =	stream.indirect.gather [hbm4b:s1+s16], $0x80, s3, s16, $0xb8;
	[tilespmem:$0x1AC00] =	vst v63  }
0x1b: {  	s8 =	simm.s32 $0x400  }
0x1c: {  	[tilespmem:s20], [sflag:$0x1] =	stream.indirect.gather [hbm4b:s1+s18], $0x80, s8, s18, $0xb8;
	[tilespmem:$0x1AC00] =	vst v63  }
0x1d: {  	_ = 	snop  }
0x1e: {  	[tilespmem:s21], [sflag:$0x2] =	stream.indirect.gather [hbm4b:s1+s16], $0x80, s16, s16, $0xb8;
	[tilespmem:$0x1AC00] =	vst v63  }
0x1f: {  	s26 =	simm.s32 $0x480  }
0x20: {  	[tilespmem:s23], [sflag:$0x2] =	stream.indirect.gather [hbm4b:s1+s18], $0x80, s26, s18, $0xb8;
	[tilespmem:$0x1AC00] =	vst v63  }
0x21: {  	s6 =	simm.s32 $0x100  }
0x22: {  	[tilespmem:s25], [sflag:$0x3] =	stream.indirect.gather [hbm4b:s1+s16], $0x80, s6, s16, $0xb8;
	[tilespmem:$0x1AC00] =	vst v63  }
0x23: {  	s7 =	simm.s32 $0x500  }
0x24: {  	[tilespmem:s28], [sflag:$0x3] =	stream.indirect.gather [hbm4b:s1+s18], $0x80, s7, s18, $0xb8;
	[tilespmem:$0x1AC00] =	vst v63  }
0x25: {  	_ =	swait.ge [sflag:s29], $0x6400  }
0x26: {  	[sflag:s29] =	ssyncset.done $0x0  }
0x27: {  	[sflag:s29] =	ssyncadd.s32 $0xFFFF9C00  }
0x28: {  	[hbm4b:s5+s3] =	stream.linear.scatter [tilespmem:s17], [sflag:$0x4], $0x6400, $0x38;
	[tilespmem:$0x1AC00] =	vst v63  }
0x29: {  	_ =	swait.ge [sflag:s30], $0x6400  }
0x2a: {  	[sflag:s30] =	ssyncset.done $0x0  }
0x2b: {  	s8 =	simm.s32 $0x180;
	[sflag:s30] =	ssyncadd.s32 $0xFFFF9C00  }
0x2c: {  	[tilespmem:s17], [sflag:$0x1] =	stream.indirect.gather [hbm4b:s1+s16], $0x80, s8, s16, $0xb8;
	[tilespmem:$0x1AC00] =	vst v63  }
0x2d: {  	s26 =	simm.s32 $0x580  }
0x2e: {  	[tilespmem:s20], [sflag:$0x1] =	stream.indirect.gather [hbm4b:s1+s18], $0x80, s26, s18, $0xb8;
	[tilespmem:$0x1AC00] =	vst v63  }
0x2f: {  	_ =	swait.ge [sflag:s2], $0x6400  }
0x30: {  	[sflag:s2] =	ssyncset.done $0x0  }
0x31: {  	s6 =	rddreg [dreg:$0x5];
	[sflag:s2] =	ssyncadd.s32 $0xFFFF9C00  }
0x32: {  	[hbm4b:s6+s3] =	stream.linear.scatter [tilespmem:s21], [sflag:$0x5], $0x6400, $0x38;
	[tilespmem:$0x1AC00] =	vst v63  }
0x33: {  	s7 =	simm.s32 $0x400;
	s6 =	simm.s32 $0x200;
	_ =	swait.ge [sflag:s19], $0x6400  }
0x34: {  	s4 =	sand.u32 $0x1F800, s7;
	s6 =	sand.u32 $0x380, s6;
	[sflag:s19] =	ssyncset.done $0x0  }
0x35: {  	s4 =	sor.u32 s6, s4;
	[sflag:s19] =	ssyncadd.s32 $0xFFFF9C00  }
0x36: {  	[tilespmem:s21], [sflag:$0x2] =	stream.indirect.gather [hbm4b:s1+s16], $0x80, s4, s16, $0xb8;
	[tilespmem:$0x1AC00] =	vst v63  }
0x37: {  	s4 =	sor.u32 $0x400, s4  }
0x38: {  	[tilespmem:s23], [sflag:$0x2] =	stream.indirect.gather [hbm4b:s1+s18], $0x80, s4, s18, $0xb8;
	[tilespmem:$0x1AC00] =	vst v63  }
0x39: {  	_ =	swait.ge [sflag:s22], $0x6400  }
0x3a: {  	[sflag:s22] =	ssyncset.done $0x0  }
0x3b: {  	[sflag:s22] =	ssyncadd.s32 $0xFFFF9C00  }
0x3c: {  	[hbm4b:s14+s3] =	stream.linear.scatter [tilespmem:s25], [sflag:$0x6], $0x6400, $0x38;
	[tilespmem:$0x1AC00] =	vst v63  }
0x3d: {  	s8 =	simm.s32 $0x500;
	s26 =	simm.s32 $0x280;
	_ =	swait.ge [sflag:s24], $0x6400  }
0x3e: {  	s6 =	sand.u32 $0x380, s26;
	s4 =	sand.u32 $0x1F800, s8;
	[sflag:s24] =	ssyncset.done $0x0  }
0x3f: {  	s4 =	sor.u32 s6, s4;
	[sflag:s24] =	ssyncadd.s32 $0xFFFF9C00  }
0x40: {  	[tilespmem:s25], [sflag:$0x3] =	stream.indirect.gather [hbm4b:s1+s16], $0x80, s4, s16, $0xb8;
	[tilespmem:$0x1AC00] =	vst v63  }
0x41: {  	s4 =	sor.u32 $0x400, s4  }
0x42: {  	[tilespmem:s28], [sflag:$0x3] =	stream.indirect.gather [hbm4b:s1+s18], $0x80, s4, s18, $0xb8;
	[tilespmem:$0x1AC00] =	vst v63  }
0x43: {  	_ =	swait.ge [sflag:s29], $0x6400  }
0x44: {  	[sflag:s29] =	ssyncset.done $0x0  }
0x45: {  	s7 =	sadd.s32 $0xC80, s14;
	[sflag:s29] =	ssyncadd.s32 $0xFFFF9C00  }
0x46: {  	[hbm4b:s7+s3] =	stream.linear.scatter [tilespmem:s17], [sflag:$0x4], $0x6400, $0x38;
	[tilespmem:$0x1AC00] =	vst v63  }
0x47: {  	s26 =	simm.s32 $0x600;
	s8 =	simm.s32 $0x300;
	_ =	swait.ge [sflag:s30], $0x6400  }
0x48: {  	s6 =	sand.u32 $0x1F800, s26;
	s4 =	sand.u32 $0x380, s8;
	[sflag:s30] =	ssyncset.done $0x0  }
0x49: {  	s4 =	sor.u32 s4, s6;
	[sflag:s30] =	ssyncadd.s32 $0xFFFF9C00  }
0x4a: {  	[tilespmem:s17], [sflag:$0x1] =	stream.indirect.gather [hbm4b:s1+s16], $0x80, s4, s16, $0xb8;
	[tilespmem:$0x1AC00] =	vst v63  }
0x4b: {  	s4 =	sor.u32 $0x400, s4  }
0x4c: {  	[tilespmem:s20], [sflag:$0x1] =	stream.indirect.gather [hbm4b:s1+s18], $0x80, s4, s18, $0xb8;
	[tilespmem:$0x1AC00] =	vst v63  }
0x4d: {  	_ =	swait.ge [sflag:s2], $0x6400  }
0x4e: {  	s31 =	simm.s32 $0x900;
	s26 =	simm.s32 $0x480;
	[sflag:s2] =	ssyncset.done $0x0  }
0x4f: {  	s6 =	sadd.s32 $0x1900, s14;
	s4 =	sadd.s32 $0x2580, s14;
	[sflag:s2] =	ssyncadd.s32 $0xFFFF9C00  }
.LBB2_2:
0x50: {  	[hbm4b:s6+s3] =	stream.linear.scatter [tilespmem:s21], [sflag:$0x5], $0x6400, $0x38;
	[tilespmem:$0x1AC00] =	vst v63  }
0x51: {  	s6 =	sadd.s32 $0xFFFFFE00, s31;
	s7 =	sadd.s32 $0xFFFFFF00, s26;
	_ =	swait.ge [sflag:s19], $0x6400  }
0x52: {  	s6 =	sand.u32 $0x1F800, s6;
	s7 =	sand.u32 $0x380, s7;
	[sflag:s19] =	ssyncset.done $0x0  }
0x53: {  	p0 =	sne.s32 s26, $0x3D80;
	s6 =	sor.u32 s7, s6;
	[sflag:s19] =	ssyncadd.s32 $0xFFFF9C00  }
0x54: {  	[tilespmem:s21], [sflag:$0x2] =	stream.indirect.gather [hbm4b:s1+s16], $0x80, s6, s16, $0xb8;
	[tilespmem:$0x1AC00] =	vst v63  }
0x55: {  	s7 =	smov.u32 s26;
	s26 =	sadd.s32 $0x180, s26;
	s6 =	sor.u32 $0x400, s6  }
0x56: {  	[tilespmem:s23], [sflag:$0x2] =	stream.indirect.gather [hbm4b:s1+s18], $0x80, s6, s18, $0xb8;
	[tilespmem:$0x1AC00] =	vst v63  }
0x57: {  	_ =	swait.ge [sflag:s22], $0x6400  }
0x58: {  	[sflag:s22] =	ssyncset.done $0x0  }
0x59: {  	[sflag:s22] =	ssyncadd.s32 $0xFFFF9C00  }
0x5a: {  	[hbm4b:s4+s3] =	stream.linear.scatter [tilespmem:s25], [sflag:$0x6], $0x6400, $0x38;
	[tilespmem:$0x1AC00] =	vst v63  }
0x5b: {  	s8 =	sadd.s32 $0xFFFFFF80, s7;
	s6 =	sadd.s32 $0xFFFFFF00, s31;
	_ =	swait.ge [sflag:s24], $0x6400  }
0x5c: {  	s8 =	sand.u32 $0x380, s8;
	s6 =	sand.u32 $0x1F800, s6;
	[sflag:s24] =	ssyncset.done $0x0  }
0x5d: {  	s6 =	sor.u32 s8, s6;
	[sflag:s24] =	ssyncadd.s32 $0xFFFF9C00  }
0x5e: {  	[tilespmem:s25], [sflag:$0x3] =	stream.indirect.gather [hbm4b:s1+s16], $0x80, s6, s16, $0xb8;
	[tilespmem:$0x1AC00] =	vst v63  }
0x5f: {  	s6 =	sor.u32 $0x400, s6  }
0x60: {  	[tilespmem:s28], [sflag:$0x3] =	stream.indirect.gather [hbm4b:s1+s18], $0x80, s6, s18, $0xb8;
	[tilespmem:$0x1AC00] =	vst v63  }
0x61: {  	_ =	swait.ge [sflag:s29], $0x6400  }
0x62: {  	[sflag:s29] =	ssyncset.done $0x0  }
0x63: {  	s6 =	sadd.s32 $0xC80, s4;
	[sflag:s29] =	ssyncadd.s32 $0xFFFF9C00  }
0x64: {  	[hbm4b:s6+s3] =	stream.linear.scatter [tilespmem:s17], [sflag:$0x4], $0x6400, $0x38;
	[tilespmem:$0x1AC00] =	vst v63  }
0x65: {  	_ =	swait.ge [sflag:s30], $0x6400  }
0x66: {  	s7 =	sand.u32 $0x380, s7;
	s6 =	sand.u32 $0x1F800, s31;
	[sflag:s30] =	ssyncset.done $0x0  }
0x67: {  	s6 =	sor.u32 s7, s6;
	[sflag:s30] =	ssyncadd.s32 $0xFFFF9C00  }
0x68: {  	[tilespmem:s17], [sflag:$0x1] =	stream.indirect.gather [hbm4b:s1+s16], $0x80, s6, s16, $0xb8;
	[tilespmem:$0x1AC00] =	vst v63  }
.Ltmp0:
0x69: {  	s6 =	sor.u32 $0x400, s6;
	(pc) =	sbr.rel @p0 .LBB2_2-.Ltmp0, $4  }
0x6a: {  	[tilespmem:s20], [sflag:$0x1] =	stream.indirect.gather [hbm4b:s1+s18], $0x80, s6, s18, $0xb8;
	[tilespmem:$0x1AC00] =	vst v63  }
0x6b: {  	_ =	swait.ge [sflag:s2], $0x6400  }
0x6c: {  	s31 =	sadd.s32 $0x300, s31;
	[sflag:s2] =	ssyncset.done $0x0  }
0x6d: {  	s6 =	sadd.s32 $0x1900, s4;
	s4 =	sadd.s32 $0x2580, s4;
	[sflag:s2] =	ssyncadd.s32 $0xFFFF9C00  }
0x6e: {  	[hbm4b:s6+s3] =	stream.linear.scatter [tilespmem:s21], [sflag:$0x5], $0x6400, $0x38;
	[tilespmem:$0x1AC00] =	vst v63  }
0x6f: {  	_ =	swait.ge [sflag:s19], $0x6400  }
0x70: {  	[sflag:s19] =	ssyncset.done $0x0  }
0x71: {  	s4 =	simm.s32 $0x7A00;
	[sflag:s19] =	ssyncadd.s32 $0xFFFF9C00  }
0x72: {  	[tilespmem:s21], [sflag:$0x2] =	stream.indirect.gather [hbm4b:s1+s16], $0x80, s4, s16, $0xb8;
	[tilespmem:$0x1AC00] =	vst v63  }
0x73: {  	s7 =	simm.s32 $0x7E00  }
0x74: {  	[tilespmem:s23], [sflag:$0x2] =	stream.indirect.gather [hbm4b:s1+s18], $0x80, s7, s18, $0xb8;
	[tilespmem:$0x1AC00] =	vst v63  }
0x75: {  	_ =	swait.ge [sflag:s22], $0x6400  }
0x76: {  	[sflag:s22] =	ssyncset.done $0x0  }
0x77: {  	s8 =	rddreg [dreg:$0x6];
	[sflag:s22] =	ssyncadd.s32 $0xFFFF9C00  }
0x78: {  	[hbm4b:s8+s3] =	stream.linear.scatter [tilespmem:s25], [sflag:$0x6], $0x6400, $0x38;
	[tilespmem:$0x1AC00] =	vst v63  }
0x79: {  	_ =	swait.ge [sflag:s24], $0x6400  }
0x7a: {  	[sflag:s24] =	ssyncset.done $0x0  }
0x7b: {  	s26 =	simm.s32 $0x7A80;
	[sflag:s24] =	ssyncadd.s32 $0xFFFF9C00  }
0x7c: {  	[tilespmem:s25], [sflag:$0x3] =	stream.indirect.gather [hbm4b:s1+s16], $0x80, s26, s16, $0xb8;
	[tilespmem:$0x1AC00] =	vst v63  }
0x7d: {  	s31 =	simm.s32 $0x7E80  }
0x7e: {  	[tilespmem:s28], [sflag:$0x3] =	stream.indirect.gather [hbm4b:s1+s18], $0x80, s31, s18, $0xb8;
	[tilespmem:$0x1AC00] =	vst v63  }
0x7f: {  	_ =	swait.ge [sflag:s29], $0x6400  }
0x80: {  	[sflag:s29] =	ssyncset.done $0x0  }
0x81: {  	s6 =	rddreg [dreg:$0x7];
	[sflag:s29] =	ssyncadd.s32 $0xFFFF9C00  }
0x82: {  	[hbm4b:s6+s3] =	stream.linear.scatter [tilespmem:s17], [sflag:$0x4], $0x6400, $0x38;
	[tilespmem:$0x1AC00] =	vst v63  }
0x83: {  	_ =	swait.ge [sflag:s30], $0x6400  }
0x84: {  	[sflag:s30] =	ssyncset.done $0x0  }
0x85: {  	s7 =	simm.s32 $0x7B00;
	[sflag:s30] =	ssyncadd.s32 $0xFFFF9C00  }
0x86: {  	[tilespmem:s17], [sflag:$0x1] =	stream.indirect.gather [hbm4b:s1+s16], $0x80, s7, s16, $0xb8;
	[tilespmem:$0x1AC00] =	vst v63  }
0x87: {  	s8 =	simm.s32 $0x7F00  }
0x88: {  	[tilespmem:s20], [sflag:$0x1] =	stream.indirect.gather [hbm4b:s1+s18], $0x80, s8, s18, $0xb8;
	[tilespmem:$0x1AC00] =	vst v63  }
0x89: {  	_ =	swait.ge [sflag:s2], $0x6400  }
0x8a: {  	[sflag:s2] =	ssyncset.done $0x0  }
0x8b: {  	[sflag:s2] =	ssyncadd.s32 $0xFFFF9C00  }
0x8c: {  	[hbm4b:s9+s3] =	stream.linear.scatter [tilespmem:s21], [sflag:$0x5], $0x6400, $0x38;
	[tilespmem:$0x1AC00] =	vst v63  }
0x8d: {  	_ =	swait.ge [sflag:s19], $0x6400  }
0x8e: {  	[sflag:s19] =	ssyncset.done $0x0  }
0x8f: {  	s26 =	simm.s32 $0x7B80;
	[sflag:s19] =	ssyncadd.s32 $0xFFFF9C00  }
0x90: {  	[tilespmem:s21], [sflag:$0x2] =	stream.indirect.gather [hbm4b:s1+s16], $0x80, s26, s16, $0xb8;
	[tilespmem:$0x1AC00] =	vst v63  }
0x91: {  	s31 =	simm.s32 $0x7F80  }
0x92: {  	[tilespmem:s23], [sflag:$0x2] =	stream.indirect.gather [hbm4b:s1+s18], $0x80, s31, s18, $0xb8;
	[tilespmem:$0x1AC00] =	vst v63  }
0x93: {  	_ =	swait.ge [sflag:s22], $0x6400  }
0x94: {  	[sflag:s22] =	ssyncset.done $0x0  }
0x95: {  	[sflag:s22] =	ssyncadd.s32 $0xFFFF9C00  }
0x96: {  	[hbm4b:s10+s3] =	stream.linear.scatter [tilespmem:s25], [sflag:$0x6], $0x6400, $0x38;
	[tilespmem:$0x1AC00] =	vst v63  }
0x97: {  	_ =	swait.ge [sflag:s24], $0x6400  }
0x98: {  	[sflag:s24] =	ssyncset.done $0x0  }
0x99: {  	[sflag:s24] =	ssyncadd.s32 $0xFFFF9C00  }
0x9a: {  	_ =	swait.ge [sflag:s29], $0x6400  }
0x9b: {  	[sflag:s29] =	ssyncset.done $0x0  }
0x9c: {  	[sflag:s29] =	ssyncadd.s32 $0xFFFF9C00  }
0x9d: {  	[hbm4b:s11+s3] =	stream.linear.scatter [tilespmem:s17], [sflag:$0x4], $0x6400, $0x38;
	[tilespmem:$0x1AC00] =	vst v63  }
0x9e: {  	_ =	swait.ge [sflag:s30], $0x6400  }
0x9f: {  	[sflag:s30] =	ssyncset.done $0x0  }
0xa0: {  	[sflag:s30] =	ssyncadd.s32 $0xFFFF9C00  }
0xa1: {  	s0 =	sadd.s32 $0x1, s0;
	_ =	swait.ge [sflag:s2], $0x6400  }
0xa2: {  	p0 =	sne.s32 s0, s13;
	[sflag:s2] =	ssyncset.done $0x0  }
.Ltmp1:
0xa3: {  	[sflag:s2] =	ssyncadd.s32 $0xFFFF9C00;
	(pc) =	sbr.rel @p0 .LBB2_1-.Ltmp1, $4  }
0xa4: {  	[hbm4b:s12+s3] =	stream.linear.scatter [tilespmem:s21], [sflag:$0x5], $0x6400, $0x38;
	[tilespmem:$0x1AC00] =	vst v63  }
0xa5: {  	_ =	swait.ge [sflag:s19], $0x6400  }
0xa6: {  	[sflag:s19] =	ssyncset.done $0x0  }
0xa7: {  	[sflag:s19] =	ssyncadd.s32 $0xFFFF9C00  }
0xa8: {  	_ =	sfence.sel $0x180000  }
0xa9: {  	[bflag:$0x0] =	sbarrier.arrive $0xFFFF  }
0xaa: {  	_ =	strace $0x90000047  }
0xab: {  	s0 =	stileid.u32;
	[bflag:$0x2] =	sbarrier.arrive $0xFFFF  }
0xac: {  	p0 =	sne.s32 s0, $0x0;
	s0 =	rddreg [dreg:$0x3]  }
0xad: {  	s0 =	sadd.s32 @!p0 $0x100000, s0  }
0xae: {  	[sflag:s0] =	ssyncadd.tile.s32 @!p0 $0x1;
	_ =	shalt  }
.Lfunc_end2:
_tile_overlayer_lowered:
.L_overlay_start_2:
0xaf: {  	(tag) =	ssettag $0x2  }
0xb0: {  	s0 =	rddreg [dreg:$0x0];
	s2 =	stileid.u32  }
0xb1: {  	s1 =	rddreg [dreg:$0x1];
	p0 =	sne.s32 s2, $0x0  }
0xb2: {  	s3 =	rddreg [dreg:$0x2];
	[bflag:$0x3] =	sbarrier.arrive $0xFFFF;
	s2 =	simm.s32 @!p0 $0x1C07  }
0xb3: {  	[timem:s3], [sflag:s2] =	dma.local @!p0 [hbm:s0], s1  }
0xb4: {  	s0 =	simm.s32 @!p0 $0x7  }
0xb5: {  	_ =	swait.ge @!p0 [sflag:s0], s1  }
0xb6: {  	s1 =	ssub.s32 @!p0 $0x0, s1;
	[sflag:s0] =	ssyncset.done @!p0 $0x0  }
0xb7: {  	[sflag:s0] =	ssyncadd.s32 @!p0 s1  }
0xb8: {  	[bflag:$0x3] =	sbarrier.arrive $0xFFFF  }
0xb9: {  	_ =	shalt  }

</sc_bundles>
